<compile_context>
chip_gen: v7x
topology: tpu7x:2x2x1
jax: 0.10.2.dev20260603
libtpu: 0.0.44.dev20260713+nightly
codegen_flags: <defaults>
</compile_context>

<pallas_src>
import functools

import jax
import jax.numpy as jnp
from jax import lax
from jax.experimental import pallas as pl
from jax.experimental.pallas import tpu as pltpu
from jax.experimental.pallas import tpu_sc as plsc

DIM = 128
MAX_DIS = 1000
B = 100000
C = 64
NW = 32
SPAN = 3200
NCH = SPAN // C
NBUF = 12
LOOKAHEAD = 8

_mesh = plsc.VectorSubcoreMesh(core_axis_name="c", subcore_axis_name="s")


@functools.partial(
    pl.kernel,
    mesh=_mesh,
    out_type=jax.ShapeDtypeStruct((B, DIM), jnp.float32),
    scratch_types=[
        pltpu.VMEM((SPAN,), jnp.int32),
        pltpu.VMEM((NBUF, C, DIM), jnp.float32),
        pltpu.VMEM_SHARED((MAX_DIS + 1, DIM), jnp.float32),
        pltpu.SemaphoreType.DMA((NBUF,)),
        pltpu.SemaphoreType.DMA((NBUF,)),
    ],
)
def _gather_kernel(d_hbm, embed_hbm, out_hbm, idx_v, rows_v, table_sh,
                   gsem, wsem):
    sid = lax.axis_index("s")
    wid = sid * 2 + lax.axis_index("c")
    base_w = jnp.minimum(wid * SPAN, B - SPAN)

    @pl.when(sid == 0)
    def _():
        pltpu.make_async_copy(embed_hbm, table_sh, gsem.at[0]).start()

    HEAD = LOOKAHEAD * C
    pltpu.sync_copy(d_hbm.at[pl.ds(base_w, HEAD)], idx_v.at[pl.ds(0, HEAD)])
    pltpu.make_async_copy(
        d_hbm.at[pl.ds(base_w + HEAD, SPAN - HEAD)],
        idx_v.at[pl.ds(HEAD, SPAN - HEAD)], wsem.at[0]
    ).start()

    def clamp_chunk(k):
        for j in range(C // 16):
            sl = pl.ds(k * C + j * 16, 16)
            idx_v[sl] = jnp.minimum(jnp.maximum(idx_v[sl], 0), MAX_DIS)

    for k in range(LOOKAHEAD):
        clamp_chunk(k)

    @pl.when(sid == 0)
    def _():
        pltpu.make_async_copy(embed_hbm, table_sh, gsem.at[0]).wait()

    plsc.subcore_barrier()

    def gather_start(k, b):
        pltpu.make_async_copy(
            table_sh.at[idx_v.at[pl.ds(k * C, C)]], rows_v.at[b], gsem.at[b]
        ).start()

    def gather_wait(b):
        pltpu.make_async_copy(
            table_sh.at[idx_v.at[pl.ds(0, C)]], rows_v.at[b], gsem.at[b]
        ).wait()

    def write_start(k, b):
        pltpu.make_async_copy(
            rows_v.at[b], out_hbm.at[pl.ds(base_w + k * C, C)], wsem.at[b]
        ).start()

    def write_wait(b):
        pltpu.make_async_copy(
            rows_v.at[b], out_hbm.at[pl.ds(0, C)], wsem.at[b]
        ).wait()

    for k in range(LOOKAHEAD):
        gather_start(k, k % NBUF)

    pltpu.make_async_copy(
        d_hbm.at[pl.ds(base_w + HEAD, SPAN - HEAD)],
        idx_v.at[pl.ds(HEAD, SPAN - HEAD)], wsem.at[0]
    ).wait()

    def chunk_body(k, carry):
        kf = k + LOOKAHEAD

        @pl.when(kf < NCH)
        def _():
            bf = lax.rem(kf, NBUF)

            @pl.when(kf >= NBUF)
            def _():
                write_wait(bf)

            clamp_chunk(kf)
            gather_start(kf, bf)

        b = lax.rem(k, NBUF)
        gather_wait(b)
        write_start(k, b)
        return carry

    lax.fori_loop(0, NCH, chunk_body, None)

    for b in range(NBUF):
        write_wait(b)


def kernel(d, embed_d):
    return _gather_kernel(d, embed_d)

# --- scband reference (transcript-rebuilt; emitter-appended) ---
"""Pipeline reference for scband-node-embedding-62508954026569 (READ-ONLY COPY).

The authoritative reference and input builder live on the scoring server;
editing this copy changes nothing except your own understanding.
"""

import jax, jax.numpy as jnp
import numpy as np

DIM = 128
MAX_DIS = 1000
N = 100000

def setup_inputs(seed: int = 0) -> dict:
    key = jax.random.key(seed)
    k1, k2 = jax.random.split(key)
    d = jax.random.randint(k1, (N,), 0, 1500, dtype=jnp.int32)
    embed_d = jax.random.normal(k2, (MAX_DIS + 1, DIM), dtype=jnp.float32) * 0.02
    return {"d": d, "embed_d": embed_d}

def reference(d, embed_d):
    # enc is None -> x = 0; output is x + embed_d(clamp(d, 0, max_dis))
    dd = jnp.clip(d, 0, MAX_DIS)
    emb = jnp.take(embed_d, dd, axis=0)
    x = jnp.zeros((), dtype=emb.dtype)
    return x + emb

if __name__ == "__main__":
    import jax
    _d = setup_inputs()
    print(jax.jit(kernel)(*tuple(_d.values())))

</pallas_src>

<mosaic_0001>
#map = affine_map<(d0, d1) -> (0)>
#map1 = affine_map<(d0, d1) -> (0, 0)>
module attributes {stable_mosaic.version = 14 : i64} {
  func.func @_gather_kernel(%arg0: i32, %arg1: i32, %arg2: memref<100000xi32, #tpu.memory_space<hbm>>, %arg3: memref<1001x128xf32, #tpu.memory_space<hbm>>, %arg4: memref<100000x128xf32, #tpu.memory_space<hbm>>, %arg5: memref<3200xi32, #tpu.memory_space<vmem>>, %arg6: memref<12x64x128xf32, #tpu.memory_space<vmem>>, %arg7: memref<1001x128xf32, #tpu.memory_space<vmem_shared>>, %arg8: memref<12x!tpu.dma_semaphore, #tpu.memory_space<semaphore_mem>>, %arg9: memref<12x!tpu.dma_semaphore, #tpu.memory_space<semaphore_mem>>) attributes {dimension_semantics = [#tpu.dimension_semantics<core_parallel>, #tpu.dimension_semantics<subcore_parallel>], iteration_bounds = array<i64: 2, 16>, scalar_prefetch = 0 : i64, scratch_operands = 5 : i64, tpu.core_type = #tpu.core_type<sc_vector_subcore>, window_params = [{transform_indices = #map}, {transform_indices = #map1}, {transform_indices = #map1}]} {
    %mul3A = arith.constant 2 : i32
    %mul3A_0 = arith.muli %arg1, %mul3A : i32
    %add3A = arith.addi %mul3A_0, %arg0 : i32
    %mul3A_1 = arith.constant 3200 : i32
    %mul3A_2 = arith.muli %add3A, %mul3A_1 : i32
    %min3A = arith.constant 96800 : i32
    %min3A_3 = arith.minsi %mul3A_2, %min3A : i32
    %eq3A = arith.constant 0 : i32
    %eq3A_4 = arith.cmpi eq, %arg1, %eq3A : i32
    %convert_element_type3A = arith.extui %eq3A_4 : i1 to i32
    %cond3A = arith.constant 0 : i32
    %cond3A_5 = arith.cmpi ne, %convert_element_type3A, %cond3A : i32
    scf.if %cond3A_5 {
      %dma_start3A_768 = arith.constant 0 : i32
      %dma_start3A_769 = tpu.memref_slice %arg8[%dma_start3A_768] : memref<12x!tpu.dma_semaphore, #tpu.memory_space<semaphore_mem>> -> memref<1x!tpu.dma_semaphore, #tpu.memory_space<semaphore_mem>>
      %dma_start3A_770 = tpu.memref_squeeze %dma_start3A_769 : memref<1x!tpu.dma_semaphore, #tpu.memory_space<semaphore_mem>> -> memref<!tpu.dma_semaphore, #tpu.memory_space<semaphore_mem>>
      tpu.enqueue_dma source(%arg3 : memref<1001x128xf32, #tpu.memory_space<hbm>>) target(%arg7 : memref<1001x128xf32, #tpu.memory_space<vmem_shared>>) target_semaphore(%dma_start3A_770 : memref<!tpu.dma_semaphore, #tpu.memory_space<semaphore_mem>>)
    } else {
    }
    "tpu.region"() ({
      %run_scoped3A = tpu.sem_alloc : memref<!tpu.dma_semaphore, #tpu.memory_space<semaphore_mem>>
      %dma_start3A_768 = arith.constant 0 : i32
      %dma_start3A_769 = tpu.memref_slice %arg5[%dma_start3A_768] : memref<3200xi32, #tpu.memory_space<vmem>> -> memref<512xi32, #tpu.memory_space<vmem>>
      %dma_start3A_770 = tpu.memref_slice %arg2[%min3A_3] : memref<100000xi32, #tpu.memory_space<hbm>> -> memref<512xi32, #tpu.memory_space<hbm>>
      %dma_start3A_771 = arith.constant 0 : i32
      %dma_start3A_772 = tpu.memref_slice %arg5[%dma_start3A_771] : memref<3200xi32, #tpu.memory_space<vmem>> -> memref<512xi32, #tpu.memory_space<vmem>>
      %dma_start3A_773 = tpu.memref_slice %arg2[%min3A_3] : memref<100000xi32, #tpu.memory_space<hbm>> -> memref<512xi32, #tpu.memory_space<hbm>>
      tpu.enqueue_dma source(%dma_start3A_773 : memref<512xi32, #tpu.memory_space<hbm>>) target(%dma_start3A_772 : memref<512xi32, #tpu.memory_space<vmem>>) target_semaphore(%run_scoped3A : memref<!tpu.dma_semaphore, #tpu.memory_space<semaphore_mem>>)
      %dma_wait3A_774 = arith.constant 0 : i32
      %dma_wait3A_775 = tpu.memref_slice %arg5[%dma_wait3A_774] : memref<3200xi32, #tpu.memory_space<vmem>> -> memref<512xi32, #tpu.memory_space<vmem>>
      %dma_wait3A_776 = tpu.memref_slice %arg2[%min3A_3] : memref<100000xi32, #tpu.memory_space<hbm>> -> memref<512xi32, #tpu.memory_space<hbm>>
      %dma_wait3A_777 = arith.constant 0 : i32
      %dma_wait3A_778 = tpu.memref_slice %arg5[%dma_wait3A_777] : memref<3200xi32, #tpu.memory_space<vmem>> -> memref<512xi32, #tpu.memory_space<vmem>>
      %dma_wait3A_779 = tpu.memref_slice %arg2[%min3A_3] : memref<100000xi32, #tpu.memory_space<hbm>> -> memref<512xi32, #tpu.memory_space<hbm>>
      tpu.wait_dma2 semaphore(%run_scoped3A : memref<!tpu.dma_semaphore, #tpu.memory_space<semaphore_mem>>) src(%dma_wait3A_779 : memref<512xi32, #tpu.memory_space<hbm>>) dst(%dma_wait3A_778 : memref<512xi32, #tpu.memory_space<vmem>>)
      tpu.yield
    }) : () -> ()
    %add3A_6 = arith.constant 512 : i32
    %add3A_7 = arith.addi %min3A_3, %add3A_6 : i32
    %dma_start3A = arith.constant 0 : i32
    %dma_start3A_8 = arith.constant 512 : i32
    %dma_start3A_9 = tpu.memref_slice %arg5[%dma_start3A_8] : memref<3200xi32, #tpu.memory_space<vmem>> -> memref<2688xi32, #tpu.memory_space<vmem>>
    %dma_start3A_10 = tpu.memref_slice %arg2[%add3A_7] : memref<100000xi32, #tpu.memory_space<hbm>> -> memref<2688xi32, #tpu.memory_space<hbm>>
    %dma_start3A_11 = tpu.memref_slice %arg9[%dma_start3A] : memref<12x!tpu.dma_semaphore, #tpu.memory_space<semaphore_mem>> -> memref<1x!tpu.dma_semaphore, #tpu.memory_space<semaphore_mem>>
    %dma_start3A_12 = tpu.memref_squeeze %dma_start3A_11 : memref<1x!tpu.dma_semaphore, #tpu.memory_space<semaphore_mem>> -> memref<!tpu.dma_semaphore, #tpu.memory_space<semaphore_mem>>
    %dma_start3A_13 = arith.constant 512 : i32
    %dma_start3A_14 = tpu.memref_slice %arg5[%dma_start3A_13] : memref<3200xi32, #tpu.memory_space<vmem>> -> memref<2688xi32, #tpu.memory_space<vmem>>
    %dma_start3A_15 = tpu.memref_slice %arg2[%add3A_7] : memref<100000xi32, #tpu.memory_space<hbm>> -> memref<2688xi32, #tpu.memory_space<hbm>>
    tpu.enqueue_dma source(%dma_start3A_15 : memref<2688xi32, #tpu.memory_space<hbm>>) target(%dma_start3A_14 : memref<2688xi32, #tpu.memory_space<vmem>>) target_semaphore(%dma_start3A_12 : memref<!tpu.dma_semaphore, #tpu.memory_space<semaphore_mem>>)
    %get3A = arith.constant 0 : index
    %get3A_16 = tpu.vector_load %arg5[%get3A] {strides = array<i32>} : memref<3200xi32, #tpu.memory_space<vmem>>, vector<16xi32>,
    %get3A_17 = vector.shape_cast %get3A_16 : vector<16xi32> to vector<16xi32>
    %max3A = arith.constant 0 : i32
    %max3A_18 = vector.broadcast %max3A : i32 to vector<16xi32>
    %max3A_19 = arith.maxsi %get3A_17, %max3A_18 : vector<16xi32>
    %min3A_20 = arith.constant 1000 : i32
    %min3A_21 = vector.broadcast %min3A_20 : i32 to vector<16xi32>
    %min3A_22 = arith.minsi %max3A_19, %min3A_21 : vector<16xi32>
    %swap3A = arith.constant 0 : index
    %swap3A_23 = tpu.vector_load %arg5[%swap3A] {strides = array<i32>} : memref<3200xi32, #tpu.memory_space<vmem>>, vector<16xi32>,
    %swap3A_24 = vector.shape_cast %swap3A_23 : vector<16xi32> to vector<16xi32>
    %swap3A_25 = vector.shape_cast %min3A_22 : vector<16xi32> to vector<16xi32>
    tpu.vector_store %arg5[%swap3A], %swap3A_25 {strides = array<i32>} : memref<3200xi32, #tpu.memory_space<vmem>>, vector<16xi32>,
    %get3A_26 = arith.constant 16 : index
    %get3A_27 = tpu.vector_load %arg5[%get3A_26] {strides = array<i32>} : memref<3200xi32, #tpu.memory_space<vmem>>, vector<16xi32>,
    %get3A_28 = vector.shape_cast %get3A_27 : vector<16xi32> to vector<16xi32>
    %max3A_29 = arith.constant 0 : i32
    %max3A_30 = vector.broadcast %max3A_29 : i32 to vector<16xi32>
    %max3A_31 = arith.maxsi %get3A_28, %max3A_30 : vector<16xi32>
    %min3A_32 = arith.constant 1000 : i32
    %min3A_33 = vector.broadcast %min3A_32 : i32 to vector<16xi32>
    %min3A_34 = arith.minsi %max3A_31, %min3A_33 : vector<16xi32>
    %swap3A_35 = arith.constant 16 : index
    %swap3A_36 = tpu.vector_load %arg5[%swap3A_35] {strides = array<i32>} : memref<3200xi32, #tpu.memory_space<vmem>>, vector<16xi32>,
    %swap3A_37 = vector.shape_cast %swap3A_36 : vector<16xi32> to vector<16xi32>
    %swap3A_38 = vector.shape_cast %min3A_34 : vector<16xi32> to vector<16xi32>
    tpu.vector_store %arg5[%swap3A_35], %swap3A_38 {strides = array<i32>} : memref<3200xi32, #tpu.memory_space<vmem>>, vector<16xi32>,
    %get3A_39 = arith.constant 32 : index
    %get3A_40 = tpu.vector_load %arg5[%get3A_39] {strides = array<i32>} : memref<3200xi32, #tpu.memory_space<vmem>>, vector<16xi32>,
    %get3A_41 = vector.shape_cast %get3A_40 : vector<16xi32> to vector<16xi32>
    %max3A_42 = arith.constant 0 : i32
    %max3A_43 = vector.broadcast %max3A_42 : i32 to vector<16xi32>
    %max3A_44 = arith.maxsi %get3A_41, %max3A_43 : vector<16xi32>
    %min3A_45 = arith.constant 1000 : i32
    %min3A_46 = vector.broadcast %min3A_45 : i32 to vector<16xi32>
    %min3A_47 = arith.minsi %max3A_44, %min3A_46 : vector<16xi32>
    %swap3A_48 = arith.constant 32 : index
    %swap3A_49 = tpu.vector_load %arg5[%swap3A_48] {strides = array<i32>} : memref<3200xi32, #tpu.memory_space<vmem>>, vector<16xi32>,
    %swap3A_50 = vector.shape_cast %swap3A_49 : vector<16xi32> to vector<16xi32>
    %swap3A_51 = vector.shape_cast %min3A_47 : vector<16xi32> to vector<16xi32>
    tpu.vector_store %arg5[%swap3A_48], %swap3A_51 {strides = array<i32>} : memref<3200xi32, #tpu.memory_space<vmem>>, vector<16xi32>,
    %get3A_52 = arith.constant 48 : index
    %get3A_53 = tpu.vector_load %arg5[%get3A_52] {strides = array<i32>} : memref<3200xi32, #tpu.memory_space<vmem>>, vector<16xi32>,
    %get3A_54 = vector.shape_cast %get3A_53 : vector<16xi32> to vector<16xi32>
    %max3A_55 = arith.constant 0 : i32
    %max3A_56 = vector.broadcast %max3A_55 : i32 to vector<16xi32>
    %max3A_57 = arith.maxsi %get3A_54, %max3A_56 : vector<16xi32>
    %min3A_58 = arith.constant 1000 : i32
    %min3A_59 = vector.broadcast %min3A_58 : i32 to vector<16xi32>
    %min3A_60 = arith.minsi %max3A_57, %min3A_59 : vector<16xi32>
    %swap3A_61 = arith.constant 48 : index
    %swap3A_62 = tpu.vector_load %arg5[%swap3A_61] {strides = array<i32>} : memref<3200xi32, #tpu.memory_space<vmem>>, vector<16xi32>,
    %swap3A_63 = vector.shape_cast %swap3A_62 : vector<16xi32> to vector<16xi32>
    %swap3A_64 = vector.shape_cast %min3A_60 : vector<16xi32> to vector<16xi32>
    tpu.vector_store %arg5[%swap3A_61], %swap3A_64 {strides = array<i32>} : memref<3200xi32, #tpu.memory_space<vmem>>, vector<16xi32>,
    %get3A_65 = arith.constant 64 : index
    %get3A_66 = tpu.vector_load %arg5[%get3A_65] {strides = array<i32>} : memref<3200xi32, #tpu.memory_space<vmem>>, vector<16xi32>,
    %get3A_67 = vector.shape_cast %get3A_66 : vector<16xi32> to vector<16xi32>
    %max3A_68 = arith.constant 0 : i32
    %max3A_69 = vector.broadcast %max3A_68 : i32 to vector<16xi32>
    %max3A_70 = arith.maxsi %get3A_67, %max3A_69 : vector<16xi32>
    %min3A_71 = arith.constant 1000 : i32
    %min3A_72 = vector.broadcast %min3A_71 : i32 to vector<16xi32>
    %min3A_73 = arith.minsi %max3A_70, %min3A_72 : vector<16xi32>
    %swap3A_74 = arith.constant 64 : index
    %swap3A_75 = tpu.vector_load %arg5[%swap3A_74] {strides = array<i32>} : memref<3200xi32, #tpu.memory_space<vmem>>, vector<16xi32>,
    %swap3A_76 = vector.shape_cast %swap3A_75 : vector<16xi32> to vector<16xi32>
    %swap3A_77 = vector.shape_cast %min3A_73 : vector<16xi32> to vector<16xi32>
    tpu.vector_store %arg5[%swap3A_74], %swap3A_77 {strides = array<i32>} : memref<3200xi32, #tpu.memory_space<vmem>>, vector<16xi32>,
    %get3A_78 = arith.constant 80 : index
    %get3A_79 = tpu.vector_load %arg5[%get3A_78] {strides = array<i32>} : memref<3200xi32, #tpu.memory_space<vmem>>, vector<16xi32>,
    %get3A_80 = vector.shape_cast %get3A_79 : vector<16xi32> to vector<16xi32>
    %max3A_81 = arith.constant 0 : i32
    %max3A_82 = vector.broadcast %max3A_81 : i32 to vector<16xi32>
    %max3A_83 = arith.maxsi %get3A_80, %max3A_82 : vector<16xi32>
    %min3A_84 = arith.constant 1000 : i32
    %min3A_85 = vector.broadcast %min3A_84 : i32 to vector<16xi32>
    %min3A_86 = arith.minsi %max3A_83, %min3A_85 : vector<16xi32>
    %swap3A_87 = arith.constant 80 : index
    %swap3A_88 = tpu.vector_load %arg5[%swap3A_87] {strides = array<i32>} : memref<3200xi32, #tpu.memory_space<vmem>>, vector<16xi32>,
    %swap3A_89 = vector.shape_cast %swap3A_88 : vector<16xi32> to vector<16xi32>
    %swap3A_90 = vector.shape_cast %min3A_86 : vector<16xi32> to vector<16xi32>
    tpu.vector_store %arg5[%swap3A_87], %swap3A_90 {strides = array<i32>} : memref<3200xi32, #tpu.memory_space<vmem>>, vector<16xi32>,
    %get3A_91 = arith.constant 96 : index
    %get3A_92 = tpu.vector_load %arg5[%get3A_91] {strides = array<i32>} : memref<3200xi32, #tpu.memory_space<vmem>>, vector<16xi32>,
    %get3A_93 = vector.shape_cast %get3A_92 : vector<16xi32> to vector<16xi32>
    %max3A_94 = arith.constant 0 : i32
    %max3A_95 = vector.broadcast %max3A_94 : i32 to vector<16xi32>
    %max3A_96 = arith.maxsi %get3A_93, %max3A_95 : vector<16xi32>
    %min3A_97 = arith.constant 1000 : i32
    %min3A_98 = vector.broadcast %min3A_97 : i32 to vector<16xi32>
    %min3A_99 = arith.minsi %max3A_96, %min3A_98 : vector<16xi32>
    %swap3A_100 = arith.constant 96 : index
    %swap3A_101 = tpu.vector_load %arg5[%swap3A_100] {strides = array<i32>} : memref<3200xi32, #tpu.memory_space<vmem>>, vector<16xi32>,
    %swap3A_102 = vector.shape_cast %swap3A_101 : vector<16xi32> to vector<16xi32>
    %swap3A_103 = vector.shape_cast %min3A_99 : vector<16xi32> to vector<16xi32>
    tpu.vector_store %arg5[%swap3A_100], %swap3A_103 {strides = array<i32>} : memref<3200xi32, #tpu.memory_space<vmem>>, vector<16xi32>,
    %get3A_104 = arith.constant 112 : index
    %get3A_105 = tpu.vector_load %arg5[%get3A_104] {strides = array<i32>} : memref<3200xi32, #tpu.memory_space<vmem>>, vector<16xi32>,
    %get3A_106 = vector.shape_cast %get3A_105 : vector<16xi32> to vector<16xi32>
    %max3A_107 = arith.constant 0 : i32
    %max3A_108 = vector.broadcast %max3A_107 : i32 to vector<16xi32>
    %max3A_109 = arith.maxsi %get3A_106, %max3A_108 : vector<16xi32>
    %min3A_110 = arith.constant 1000 : i32
    %min3A_111 = vector.broadcast %min3A_110 : i32 to vector<16xi32>
    %min3A_112 = arith.minsi %max3A_109, %min3A_111 : vector<16xi32>
    %swap3A_113 = arith.constant 112 : index
    %swap3A_114 = tpu.vector_load %arg5[%swap3A_113] {strides = array<i32>} : memref<3200xi32, #tpu.memory_space<vmem>>, vector<16xi32>,
    %swap3A_115 = vector.shape_cast %swap3A_114 : vector<16xi32> to vector<16xi32>
    %swap3A_116 = vector.shape_cast %min3A_112 : vector<16xi32> to vector<16xi32>
    tpu.vector_store %arg5[%swap3A_113], %swap3A_116 {strides = array<i32>} : memref<3200xi32, #tpu.memory_space<vmem>>, vector<16xi32>,
    %get3A_117 = arith.constant 128 : index
    %get3A_118 = tpu.vector_load %arg5[%get3A_117] {strides = array<i32>} : memref<3200xi32, #tpu.memory_space<vmem>>, vector<16xi32>,
    %get3A_119 = vector.shape_cast %get3A_118 : vector<16xi32> to vector<16xi32>
    %max3A_120 = arith.constant 0 : i32
    %max3A_121 = vector.broadcast %max3A_120 : i32 to vector<16xi32>
    %max3A_122 = arith.maxsi %get3A_119, %max3A_121 : vector<16xi32>
    %min3A_123 = arith.constant 1000 : i32
    %min3A_124 = vector.broadcast %min3A_123 : i32 to vector<16xi32>
    %min3A_125 = arith.minsi %max3A_122, %min3A_124 : vector<16xi32>
    %swap3A_126 = arith.constant 128 : index
    %swap3A_127 = tpu.vector_load %arg5[%swap3A_126] {strides = array<i32>} : memref<3200xi32, #tpu.memory_space<vmem>>, vector<16xi32>,
    %swap3A_128 = vector.shape_cast %swap3A_127 : vector<16xi32> to vector<16xi32>
    %swap3A_129 = vector.shape_cast %min3A_125 : vector<16xi32> to vector<16xi32>
    tpu.vector_store %arg5[%swap3A_126], %swap3A_129 {strides = array<i32>} : memref<3200xi32, #tpu.memory_space<vmem>>, vector<16xi32>,
    %get3A_130 = arith.constant 144 : index
    %get3A_131 = tpu.vector_load %arg5[%get3A_130] {strides = array<i32>} : memref<3200xi32, #tpu.memory_space<vmem>>, vector<16xi32>,
    %get3A_132 = vector.shape_cast %get3A_131 : vector<16xi32> to vector<16xi32>
    %max3A_133 = arith.constant 0 : i32
    %max3A_134 = vector.broadcast %max3A_133 : i32 to vector<16xi32>
    %max3A_135 = arith.maxsi %get3A_132, %max3A_134 : vector<16xi32>
    %min3A_136 = arith.constant 1000 : i32
    %min3A_137 = vector.broadcast %min3A_136 : i32 to vector<16xi32>
    %min3A_138 = arith.minsi %max3A_135, %min3A_137 : vector<16xi32>
    %swap3A_139 = arith.constant 144 : index
    %swap3A_140 = tpu.vector_load %arg5[%swap3A_139] {strides = array<i32>} : memref<3200xi32, #tpu.memory_space<vmem>>, vector<16xi32>,
    %swap3A_141 = vector.shape_cast %swap3A_140 : vector<16xi32> to vector<16xi32>
    %swap3A_142 = vector.shape_cast %min3A_138 : vector<16xi32> to vector<16xi32>
    tpu.vector_store %arg5[%swap3A_139], %swap3A_142 {strides = array<i32>} : memref<3200xi32, #tpu.memory_space<vmem>>, vector<16xi32>,
    %get3A_143 = arith.constant 160 : index
    %get3A_144 = tpu.vector_load %arg5[%get3A_143] {strides = array<i32>} : memref<3200xi32, #tpu.memory_space<vmem>>, vector<16xi32>,
    %get3A_145 = vector.shape_cast %get3A_144 : vector<16xi32> to vector<16xi32>
    %max3A_146 = arith.constant 0 : i32
    %max3A_147 = vector.broadcast %max3A_146 : i32 to vector<16xi32>
    %max3A_148 = arith.maxsi %get3A_145, %max3A_147 : vector<16xi32>
    %min3A_149 = arith.constant 1000 : i32
    %min3A_150 = vector.broadcast %min3A_149 : i32 to vector<16xi32>
    %min3A_151 = arith.minsi %max3A_148, %min3A_150 : vector<16xi32>
    %swap3A_152 = arith.constant 160 : index
    %swap3A_153 = tpu.vector_load %arg5[%swap3A_152] {strides = array<i32>} : memref<3200xi32, #tpu.memory_space<vmem>>, vector<16xi32>,
    %swap3A_154 = vector.shape_cast %swap3A_153 : vector<16xi32> to vector<16xi32>
    %swap3A_155 = vector.shape_cast %min3A_151 : vector<16xi32> to vector<16xi32>
    tpu.vector_store %arg5[%swap3A_152], %swap3A_155 {strides = array<i32>} : memref<3200xi32, #tpu.memory_space<vmem>>, vector<16xi32>,
    %get3A_156 = arith.constant 176 : index
    %get3A_157 = tpu.vector_load %arg5[%get3A_156] {strides = array<i32>} : memref<3200xi32, #tpu.memory_space<vmem>>, vector<16xi32>,
    %get3A_158 = vector.shape_cast %get3A_157 : vector<16xi32> to vector<16xi32>
    %max3A_159 = arith.constant 0 : i32
    %max3A_160 = vector.broadcast %max3A_159 : i32 to vector<16xi32>
    %max3A_161 = arith.maxsi %get3A_158, %max3A_160 : vector<16xi32>
    %min3A_162 = arith.constant 1000 : i32
    %min3A_163 = vector.broadcast %min3A_162 : i32 to vector<16xi32>
    %min3A_164 = arith.minsi %max3A_161, %min3A_163 : vector<16xi32>
    %swap3A_165 = arith.constant 176 : index
    %swap3A_166 = tpu.vector_load %arg5[%swap3A_165] {strides = array<i32>} : memref<3200xi32, #tpu.memory_space<vmem>>, vector<16xi32>,
    %swap3A_167 = vector.shape_cast %swap3A_166 : vector<16xi32> to vector<16xi32>
    %swap3A_168 = vector.shape_cast %min3A_164 : vector<16xi32> to vector<16xi32>
    tpu.vector_store %arg5[%swap3A_165], %swap3A_168 {strides = array<i32>} : memref<3200xi32, #tpu.memory_space<vmem>>, vector<16xi32>,
    %get3A_169 = arith.constant 192 : index
    %get3A_170 = tpu.vector_load %arg5[%get3A_169] {strides = array<i32>} : memref<3200xi32, #tpu.memory_space<vmem>>, vector<16xi32>,
    %get3A_171 = vector.shape_cast %get3A_170 : vector<16xi32> to vector<16xi32>
    %max3A_172 = arith.constant 0 : i32
    %max3A_173 = vector.broadcast %max3A_172 : i32 to vector<16xi32>
    %max3A_174 = arith.maxsi %get3A_171, %max3A_173 : vector<16xi32>
    %min3A_175 = arith.constant 1000 : i32
    %min3A_176 = vector.broadcast %min3A_175 : i32 to vector<16xi32>
    %min3A_177 = arith.minsi %max3A_174, %min3A_176 : vector<16xi32>
    %swap3A_178 = arith.constant 192 : index
    %swap3A_179 = tpu.vector_load %arg5[%swap3A_178] {strides = array<i32>} : memref<3200xi32, #tpu.memory_space<vmem>>, vector<16xi32>,
    %swap3A_180 = vector.shape_cast %swap3A_179 : vector<16xi32> to vector<16xi32>
    %swap3A_181 = vector.shape_cast %min3A_177 : vector<16xi32> to vector<16xi32>
    tpu.vector_store %arg5[%swap3A_178], %swap3A_181 {strides = array<i32>} : memref<3200xi32, #tpu.memory_space<vmem>>, vector<16xi32>,
    %get3A_182 = arith.constant 208 : index
    %get3A_183 = tpu.vector_load %arg5[%get3A_182] {strides = array<i32>} : memref<3200xi32, #tpu.memory_space<vmem>>, vector<16xi32>,
    %get3A_184 = vector.shape_cast %get3A_183 : vector<16xi32> to vector<16xi32>
    %max3A_185 = arith.constant 0 : i32
    %max3A_186 = vector.broadcast %max3A_185 : i32 to vector<16xi32>
    %max3A_187 = arith.maxsi %get3A_184, %max3A_186 : vector<16xi32>
    %min3A_188 = arith.constant 1000 : i32
    %min3A_189 = vector.broadcast %min3A_188 : i32 to vector<16xi32>
    %min3A_190 = arith.minsi %max3A_187, %min3A_189 : vector<16xi32>
    %swap3A_191 = arith.constant 208 : index
    %swap3A_192 = tpu.vector_load %arg5[%swap3A_191] {strides = array<i32>} : memref<3200xi32, #tpu.memory_space<vmem>>, vector<16xi32>,
    %swap3A_193 = vector.shape_cast %swap3A_192 : vector<16xi32> to vector<16xi32>
    %swap3A_194 = vector.shape_cast %min3A_190 : vector<16xi32> to vector<16xi32>
    tpu.vector_store %arg5[%swap3A_191], %swap3A_194 {strides = array<i32>} : memref<3200xi32, #tpu.memory_space<vmem>>, vector<16xi32>,
    %get3A_195 = arith.constant 224 : index
    %get3A_196 = tpu.vector_load %arg5[%get3A_195] {strides = array<i32>} : memref<3200xi32, #tpu.memory_space<vmem>>, vector<16xi32>,
    %get3A_197 = vector.shape_cast %get3A_196 : vector<16xi32> to vector<16xi32>
    %max3A_198 = arith.constant 0 : i32
    %max3A_199 = vector.broadcast %max3A_198 : i32 to vector<16xi32>
    %max3A_200 = arith.maxsi %get3A_197, %max3A_199 : vector<16xi32>
    %min3A_201 = arith.constant 1000 : i32
    %min3A_202 = vector.broadcast %min3A_201 : i32 to vector<16xi32>
    %min3A_203 = arith.minsi %max3A_200, %min3A_202 : vector<16xi32>
    %swap3A_204 = arith.constant 224 : index
    %swap3A_205 = tpu.vector_load %arg5[%swap3A_204] {strides = array<i32>} : memref<3200xi32, #tpu.memory_space<vmem>>, vector<16xi32>,
    %swap3A_206 = vector.shape_cast %swap3A_205 : vector<16xi32> to vector<16xi32>
    %swap3A_207 = vector.shape_cast %min3A_203 : vector<16xi32> to vector<16xi32>
    tpu.vector_store %arg5[%swap3A_204], %swap3A_207 {strides = array<i32>} : memref<3200xi32, #tpu.memory_space<vmem>>, vector<16xi32>,
    %get3A_208 = arith.constant 240 : index
    %get3A_209 = tpu.vector_load %arg5[%get3A_208] {strides = array<i32>} : memref<3200xi32, #tpu.memory_space<vmem>>, vector<16xi32>,
    %get3A_210 = vector.shape_cast %get3A_209 : vector<16xi32> to vector<16xi32>
    %max3A_211 = arith.constant 0 : i32
    %max3A_212 = vector.broadcast %max3A_211 : i32 to vector<16xi32>
    %max3A_213 = arith.maxsi %get3A_210, %max3A_212 : vector<16xi32>
    %min3A_214 = arith.constant 1000 : i32
    %min3A_215 = vector.broadcast %min3A_214 : i32 to vector<16xi32>
    %min3A_216 = arith.minsi %max3A_213, %min3A_215 : vector<16xi32>
    %swap3A_217 = arith.constant 240 : index
    %swap3A_218 = tpu.vector_load %arg5[%swap3A_217] {strides = array<i32>} : memref<3200xi32, #tpu.memory_space<vmem>>, vector<16xi32>,
    %swap3A_219 = vector.shape_cast %swap3A_218 : vector<16xi32> to vector<16xi32>
    %swap3A_220 = vector.shape_cast %min3A_216 : vector<16xi32> to vector<16xi32>
    tpu.vector_store %arg5[%swap3A_217], %swap3A_220 {strides = array<i32>} : memref<3200xi32, #tpu.memory_space<vmem>>, vector<16xi32>,
    %get3A_221 = arith.constant 256 : index
    %get3A_222 = tpu.vector_load %arg5[%get3A_221] {strides = array<i32>} : memref<3200xi32, #tpu.memory_space<vmem>>, vector<16xi32>,
    %get3A_223 = vector.shape_cast %get3A_222 : vector<16xi32> to vector<16xi32>
    %max3A_224 = arith.constant 0 : i32
    %max3A_225 = vector.broadcast %max3A_224 : i32 to vector<16xi32>
    %max3A_226 = arith.maxsi %get3A_223, %max3A_225 : vector<16xi32>
    %min3A_227 = arith.constant 1000 : i32
    %min3A_228 = vector.broadcast %min3A_227 : i32 to vector<16xi32>
    %min3A_229 = arith.minsi %max3A_226, %min3A_228 : vector<16xi32>
    %swap3A_230 = arith.constant 256 : index
    %swap3A_231 = tpu.vector_load %arg5[%swap3A_230] {strides = array<i32>} : memref<3200xi32, #tpu.memory_space<vmem>>, vector<16xi32>,
    %swap3A_232 = vector.shape_cast %swap3A_231 : vector<16xi32> to vector<16xi32>
    %swap3A_233 = vector.shape_cast %min3A_229 : vector<16xi32> to vector<16xi32>
    tpu.vector_store %arg5[%swap3A_230], %swap3A_233 {strides = array<i32>} : memref<3200xi32, #tpu.memory_space<vmem>>, vector<16xi32>,
    %get3A_234 = arith.constant 272 : index
    %get3A_235 = tpu.vector_load %arg5[%get3A_234] {strides = array<i32>} : memref<3200xi32, #tpu.memory_space<vmem>>, vector<16xi32>,
    %get3A_236 = vector.shape_cast %get3A_235 : vector<16xi32> to vector<16xi32>
    %max3A_237 = arith.constant 0 : i32
    %max3A_238 = vector.broadcast %max3A_237 : i32 to vector<16xi32>
    %max3A_239 = arith.maxsi %get3A_236, %max3A_238 : vector<16xi32>
    %min3A_240 = arith.constant 1000 : i32
    %min3A_241 = vector.broadcast %min3A_240 : i32 to vector<16xi32>
    %min3A_242 = arith.minsi %max3A_239, %min3A_241 : vector<16xi32>
    %swap3A_243 = arith.constant 272 : index
    %swap3A_244 = tpu.vector_load %arg5[%swap3A_243] {strides = array<i32>} : memref<3200xi32, #tpu.memory_space<vmem>>, vector<16xi32>,
    %swap3A_245 = vector.shape_cast %swap3A_244 : vector<16xi32> to vector<16xi32>
    %swap3A_246 = vector.shape_cast %min3A_242 : vector<16xi32> to vector<16xi32>
    tpu.vector_store %arg5[%swap3A_243], %swap3A_246 {strides = array<i32>} : memref<3200xi32, #tpu.memory_space<vmem>>, vector<16xi32>,
    %get3A_247 = arith.constant 288 : index
    %get3A_248 = tpu.vector_load %arg5[%get3A_247] {strides = array<i32>} : memref<3200xi32, #tpu.memory_space<vmem>>, vector<16xi32>,
    %get3A_249 = vector.shape_cast %get3A_248 : vector<16xi32> to vector<16xi32>
    %max3A_250 = arith.constant 0 : i32
    %max3A_251 = vector.broadcast %max3A_250 : i32 to vector<16xi32>
    %max3A_252 = arith.maxsi %get3A_249, %max3A_251 : vector<16xi32>
    %min3A_253 = arith.constant 1000 : i32
    %min3A_254 = vector.broadcast %min3A_253 : i32 to vector<16xi32>
    %min3A_255 = arith.minsi %max3A_252, %min3A_254 : vector<16xi32>
    %swap3A_256 = arith.constant 288 : index
    %swap3A_257 = tpu.vector_load %arg5[%swap3A_256] {strides = array<i32>} : memref<3200xi32, #tpu.memory_space<vmem>>, vector<16xi32>,
    %swap3A_258 = vector.shape_cast %swap3A_257 : vector<16xi32> to vector<16xi32>
    %swap3A_259 = vector.shape_cast %min3A_255 : vector<16xi32> to vector<16xi32>
    tpu.vector_store %arg5[%swap3A_256], %swap3A_259 {strides = array<i32>} : memref<3200xi32, #tpu.memory_space<vmem>>, vector<16xi32>,
    %get3A_260 = arith.constant 304 : index
    %get3A_261 = tpu.vector_load %arg5[%get3A_260] {strides = array<i32>} : memref<3200xi32, #tpu.memory_space<vmem>>, vector<16xi32>,
    %get3A_262 = vector.shape_cast %get3A_261 : vector<16xi32> to vector<16xi32>
    %max3A_263 = arith.constant 0 : i32
    %max3A_264 = vector.broadcast %max3A_263 : i32 to vector<16xi32>
    %max3A_265 = arith.maxsi %get3A_262, %max3A_264 : vector<16xi32>
    %min3A_266 = arith.constant 1000 : i32
    %min3A_267 = vector.broadcast %min3A_266 : i32 to vector<16xi32>
    %min3A_268 = arith.minsi %max3A_265, %min3A_267 : vector<16xi32>
    %swap3A_269 = arith.constant 304 : index
    %swap3A_270 = tpu.vector_load %arg5[%swap3A_269] {strides = array<i32>} : memref<3200xi32, #tpu.memory_space<vmem>>, vector<16xi32>,
    %swap3A_271 = vector.shape_cast %swap3A_270 : vector<16xi32> to vector<16xi32>
    %swap3A_272 = vector.shape_cast %min3A_268 : vector<16xi32> to vector<16xi32>
    tpu.vector_store %arg5[%swap3A_269], %swap3A_272 {strides = array<i32>} : memref<3200xi32, #tpu.memory_space<vmem>>, vector<16xi32>,
    %get3A_273 = arith.constant 320 : index
    %get3A_274 = tpu.vector_load %arg5[%get3A_273] {strides = array<i32>} : memref<3200xi32, #tpu.memory_space<vmem>>, vector<16xi32>,
    %get3A_275 = vector.shape_cast %get3A_274 : vector<16xi32> to vector<16xi32>
    %max3A_276 = arith.constant 0 : i32
    %max3A_277 = vector.broadcast %max3A_276 : i32 to vector<16xi32>
    %max3A_278 = arith.maxsi %get3A_275, %max3A_277 : vector<16xi32>
    %min3A_279 = arith.constant 1000 : i32
    %min3A_280 = vector.broadcast %min3A_279 : i32 to vector<16xi32>
    %min3A_281 = arith.minsi %max3A_278, %min3A_280 : vector<16xi32>
    %swap3A_282 = arith.constant 320 : index
    %swap3A_283 = tpu.vector_load %arg5[%swap3A_282] {strides = array<i32>} : memref<3200xi32, #tpu.memory_space<vmem>>, vector<16xi32>,
    %swap3A_284 = vector.shape_cast %swap3A_283 : vector<16xi32> to vector<16xi32>
    %swap3A_285 = vector.shape_cast %min3A_281 : vector<16xi32> to vector<16xi32>
    tpu.vector_store %arg5[%swap3A_282], %swap3A_285 {strides = array<i32>} : memref<3200xi32, #tpu.memory_space<vmem>>, vector<16xi32>,
    %get3A_286 = arith.constant 336 : index
    %get3A_287 = tpu.vector_load %arg5[%get3A_286] {strides = array<i32>} : memref<3200xi32, #tpu.memory_space<vmem>>, vector<16xi32>,
    %get3A_288 = vector.shape_cast %get3A_287 : vector<16xi32> to vector<16xi32>
    %max3A_289 = arith.constant 0 : i32
    %max3A_290 = vector.broadcast %max3A_289 : i32 to vector<16xi32>
    %max3A_291 = arith.maxsi %get3A_288, %max3A_290 : vector<16xi32>
    %min3A_292 = arith.constant 1000 : i32
    %min3A_293 = vector.broadcast %min3A_292 : i32 to vector<16xi32>
    %min3A_294 = arith.minsi %max3A_291, %min3A_293 : vector<16xi32>
    %swap3A_295 = arith.constant 336 : index
    %swap3A_296 = tpu.vector_load %arg5[%swap3A_295] {strides = array<i32>} : memref<3200xi32, #tpu.memory_space<vmem>>, vector<16xi32>,
    %swap3A_297 = vector.shape_cast %swap3A_296 : vector<16xi32> to vector<16xi32>
    %swap3A_298 = vector.shape_cast %min3A_294 : vector<16xi32> to vector<16xi32>
    tpu.vector_store %arg5[%swap3A_295], %swap3A_298 {strides = array<i32>} : memref<3200xi32, #tpu.memory_space<vmem>>, vector<16xi32>,
    %get3A_299 = arith.constant 352 : index
    %get3A_300 = tpu.vector_load %arg5[%get3A_299] {strides = array<i32>} : memref<3200xi32, #tpu.memory_space<vmem>>, vector<16xi32>,
    %get3A_301 = vector.shape_cast %get3A_300 : vector<16xi32> to vector<16xi32>
    %max3A_302 = arith.constant 0 : i32
    %max3A_303 = vector.broadcast %max3A_302 : i32 to vector<16xi32>
    %max3A_304 = arith.maxsi %get3A_301, %max3A_303 : vector<16xi32>
    %min3A_305 = arith.constant 1000 : i32
    %min3A_306 = vector.broadcast %min3A_305 : i32 to vector<16xi32>
    %min3A_307 = arith.minsi %max3A_304, %min3A_306 : vector<16xi32>
    %swap3A_308 = arith.constant 352 : index
    %swap3A_309 = tpu.vector_load %arg5[%swap3A_308] {strides = array<i32>} : memref<3200xi32, #tpu.memory_space<vmem>>, vector<16xi32>,
    %swap3A_310 = vector.shape_cast %swap3A_309 : vector<16xi32> to vector<16xi32>
    %swap3A_311 = vector.shape_cast %min3A_307 : vector<16xi32> to vector<16xi32>
    tpu.vector_store %arg5[%swap3A_308], %swap3A_311 {strides = array<i32>} : memref<3200xi32, #tpu.memory_space<vmem>>, vector<16xi32>,
    %get3A_312 = arith.constant 368 : index
    %get3A_313 = tpu.vector_load %arg5[%get3A_312] {strides = array<i32>} : memref<3200xi32, #tpu.memory_space<vmem>>, vector<16xi32>,
    %get3A_314 = vector.shape_cast %get3A_313 : vector<16xi32> to vector<16xi32>
    %max3A_315 = arith.constant 0 : i32
    %max3A_316 = vector.broadcast %max3A_315 : i32 to vector<16xi32>
    %max3A_317 = arith.maxsi %get3A_314, %max3A_316 : vector<16xi32>
    %min3A_318 = arith.constant 1000 : i32
    %min3A_319 = vector.broadcast %min3A_318 : i32 to vector<16xi32>
    %min3A_320 = arith.minsi %max3A_317, %min3A_319 : vector<16xi32>
    %swap3A_321 = arith.constant 368 : index
    %swap3A_322 = tpu.vector_load %arg5[%swap3A_321] {strides = array<i32>} : memref<3200xi32, #tpu.memory_space<vmem>>, vector<16xi32>,
    %swap3A_323 = vector.shape_cast %swap3A_322 : vector<16xi32> to vector<16xi32>
    %swap3A_324 = vector.shape_cast %min3A_320 : vector<16xi32> to vector<16xi32>
    tpu.vector_store %arg5[%swap3A_321], %swap3A_324 {strides = array<i32>} : memref<3200xi32, #tpu.memory_space<vmem>>, vector<16xi32>,
    %get3A_325 = arith.constant 384 : index
    %get3A_326 = tpu.vector_load %arg5[%get3A_325] {strides = array<i32>} : memref<3200xi32, #tpu.memory_space<vmem>>, vector<16xi32>,
    %get3A_327 = vector.shape_cast %get3A_326 : vector<16xi32> to vector<16xi32>
    %max3A_328 = arith.constant 0 : i32
    %max3A_329 = vector.broadcast %max3A_328 : i32 to vector<16xi32>
    %max3A_330 = arith.maxsi %get3A_327, %max3A_329 : vector<16xi32>
    %min3A_331 = arith.constant 1000 : i32
    %min3A_332 = vector.broadcast %min3A_331 : i32 to vector<16xi32>
    %min3A_333 = arith.minsi %max3A_330, %min3A_332 : vector<16xi32>
    %swap3A_334 = arith.constant 384 : index
    %swap3A_335 = tpu.vector_load %arg5[%swap3A_334] {strides = array<i32>} : memref<3200xi32, #tpu.memory_space<vmem>>, vector<16xi32>,
    %swap3A_336 = vector.shape_cast %swap3A_335 : vector<16xi32> to vector<16xi32>
    %swap3A_337 = vector.shape_cast %min3A_333 : vector<16xi32> to vector<16xi32>
    tpu.vector_store %arg5[%swap3A_334], %swap3A_337 {strides = array<i32>} : memref<3200xi32, #tpu.memory_space<vmem>>, vector<16xi32>,
    %get3A_338 = arith.constant 400 : index
    %get3A_339 = tpu.vector_load %arg5[%get3A_338] {strides = array<i32>} : memref<3200xi32, #tpu.memory_space<vmem>>, vector<16xi32>,
    %get3A_340 = vector.shape_cast %get3A_339 : vector<16xi32> to vector<16xi32>
    %max3A_341 = arith.constant 0 : i32
    %max3A_342 = vector.broadcast %max3A_341 : i32 to vector<16xi32>
    %max3A_343 = arith.maxsi %get3A_340, %max3A_342 : vector<16xi32>
    %min3A_344 = arith.constant 1000 : i32
    %min3A_345 = vector.broadcast %min3A_344 : i32 to vector<16xi32>
    %min3A_346 = arith.minsi %max3A_343, %min3A_345 : vector<16xi32>
    %swap3A_347 = arith.constant 400 : index
    %swap3A_348 = tpu.vector_load %arg5[%swap3A_347] {strides = array<i32>} : memref<3200xi32, #tpu.memory_space<vmem>>, vector<16xi32>,
    %swap3A_349 = vector.shape_cast %swap3A_348 : vector<16xi32> to vector<16xi32>
    %swap3A_350 = vector.shape_cast %min3A_346 : vector<16xi32> to vector<16xi32>
    tpu.vector_store %arg5[%swap3A_347], %swap3A_350 {strides = array<i32>} : memref<3200xi32, #tpu.memory_space<vmem>>, vector<16xi32>,
    %get3A_351 = arith.constant 416 : index
    %get3A_352 = tpu.vector_load %arg5[%get3A_351] {strides = array<i32>} : memref<3200xi32, #tpu.memory_space<vmem>>, vector<16xi32>,
    %get3A_353 = vector.shape_cast %get3A_352 : vector<16xi32> to vector<16xi32>
    %max3A_354 = arith.constant 0 : i32
    %max3A_355 = vector.broadcast %max3A_354 : i32 to vector<16xi32>
    %max3A_356 = arith.maxsi %get3A_353, %max3A_355 : vector<16xi32>
    %min3A_357 = arith.constant 1000 : i32
    %min3A_358 = vector.broadcast %min3A_357 : i32 to vector<16xi32>
    %min3A_359 = arith.minsi %max3A_356, %min3A_358 : vector<16xi32>
    %swap3A_360 = arith.constant 416 : index
    %swap3A_361 = tpu.vector_load %arg5[%swap3A_360] {strides = array<i32>} : memref<3200xi32, #tpu.memory_space<vmem>>, vector<16xi32>,
    %swap3A_362 = vector.shape_cast %swap3A_361 : vector<16xi32> to vector<16xi32>
    %swap3A_363 = vector.shape_cast %min3A_359 : vector<16xi32> to vector<16xi32>
    tpu.vector_store %arg5[%swap3A_360], %swap3A_363 {strides = array<i32>} : memref<3200xi32, #tpu.memory_space<vmem>>, vector<16xi32>,
    %get3A_364 = arith.constant 432 : index
    %get3A_365 = tpu.vector_load %arg5[%get3A_364] {strides = array<i32>} : memref<3200xi32, #tpu.memory_space<vmem>>, vector<16xi32>,
    %get3A_366 = vector.shape_cast %get3A_365 : vector<16xi32> to vector<16xi32>
    %max3A_367 = arith.constant 0 : i32
    %max3A_368 = vector.broadcast %max3A_367 : i32 to vector<16xi32>
    %max3A_369 = arith.maxsi %get3A_366, %max3A_368 : vector<16xi32>
    %min3A_370 = arith.constant 1000 : i32
    %min3A_371 = vector.broadcast %min3A_370 : i32 to vector<16xi32>
    %min3A_372 = arith.minsi %max3A_369, %min3A_371 : vector<16xi32>
    %swap3A_373 = arith.constant 432 : index
    %swap3A_374 = tpu.vector_load %arg5[%swap3A_373] {strides = array<i32>} : memref<3200xi32, #tpu.memory_space<vmem>>, vector<16xi32>,
    %swap3A_375 = vector.shape_cast %swap3A_374 : vector<16xi32> to vector<16xi32>
    %swap3A_376 = vector.shape_cast %min3A_372 : vector<16xi32> to vector<16xi32>
    tpu.vector_store %arg5[%swap3A_373], %swap3A_376 {strides = array<i32>} : memref<3200xi32, #tpu.memory_space<vmem>>, vector<16xi32>,
    %get3A_377 = arith.constant 448 : index
    %get3A_378 = tpu.vector_load %arg5[%get3A_377] {strides = array<i32>} : memref<3200xi32, #tpu.memory_space<vmem>>, vector<16xi32>,
    %get3A_379 = vector.shape_cast %get3A_378 : vector<16xi32> to vector<16xi32>
    %max3A_380 = arith.constant 0 : i32
    %max3A_381 = vector.broadcast %max3A_380 : i32 to vector<16xi32>
    %max3A_382 = arith.maxsi %get3A_379, %max3A_381 : vector<16xi32>
    %min3A_383 = arith.constant 1000 : i32
    %min3A_384 = vector.broadcast %min3A_383 : i32 to vector<16xi32>
    %min3A_385 = arith.minsi %max3A_382, %min3A_384 : vector<16xi32>
    %swap3A_386 = arith.constant 448 : index
    %swap3A_387 = tpu.vector_load %arg5[%swap3A_386] {strides = array<i32>} : memref<3200xi32, #tpu.memory_space<vmem>>, vector<16xi32>,
    %swap3A_388 = vector.shape_cast %swap3A_387 : vector<16xi32> to vector<16xi32>
    %swap3A_389 = vector.shape_cast %min3A_385 : vector<16xi32> to vector<16xi32>
    tpu.vector_store %arg5[%swap3A_386], %swap3A_389 {strides = array<i32>} : memref<3200xi32, #tpu.memory_space<vmem>>, vector<16xi32>,
    %get3A_390 = arith.constant 464 : index
    %get3A_391 = tpu.vector_load %arg5[%get3A_390] {strides = array<i32>} : memref<3200xi32, #tpu.memory_space<vmem>>, vector<16xi32>,
    %get3A_392 = vector.shape_cast %get3A_391 : vector<16xi32> to vector<16xi32>
    %max3A_393 = arith.constant 0 : i32
    %max3A_394 = vector.broadcast %max3A_393 : i32 to vector<16xi32>
    %max3A_395 = arith.maxsi %get3A_392, %max3A_394 : vector<16xi32>
    %min3A_396 = arith.constant 1000 : i32
    %min3A_397 = vector.broadcast %min3A_396 : i32 to vector<16xi32>
    %min3A_398 = arith.minsi %max3A_395, %min3A_397 : vector<16xi32>
    %swap3A_399 = arith.constant 464 : index
    %swap3A_400 = tpu.vector_load %arg5[%swap3A_399] {strides = array<i32>} : memref<3200xi32, #tpu.memory_space<vmem>>, vector<16xi32>,
    %swap3A_401 = vector.shape_cast %swap3A_400 : vector<16xi32> to vector<16xi32>
    %swap3A_402 = vector.shape_cast %min3A_398 : vector<16xi32> to vector<16xi32>
    tpu.vector_store %arg5[%swap3A_399], %swap3A_402 {strides = array<i32>} : memref<3200xi32, #tpu.memory_space<vmem>>, vector<16xi32>,
    %get3A_403 = arith.constant 480 : index
    %get3A_404 = tpu.vector_load %arg5[%get3A_403] {strides = array<i32>} : memref<3200xi32, #tpu.memory_space<vmem>>, vector<16xi32>,
    %get3A_405 = vector.shape_cast %get3A_404 : vector<16xi32> to vector<16xi32>
    %max3A_406 = arith.constant 0 : i32
    %max3A_407 = vector.broadcast %max3A_406 : i32 to vector<16xi32>
    %max3A_408 = arith.maxsi %get3A_405, %max3A_407 : vector<16xi32>
    %min3A_409 = arith.constant 1000 : i32
    %min3A_410 = vector.broadcast %min3A_409 : i32 to vector<16xi32>
    %min3A_411 = arith.minsi %max3A_408, %min3A_410 : vector<16xi32>
    %swap3A_412 = arith.constant 480 : index
    %swap3A_413 = tpu.vector_load %arg5[%swap3A_412] {strides = array<i32>} : memref<3200xi32, #tpu.memory_space<vmem>>, vector<16xi32>,
    %swap3A_414 = vector.shape_cast %swap3A_413 : vector<16xi32> to vector<16xi32>
    %swap3A_415 = vector.shape_cast %min3A_411 : vector<16xi32> to vector<16xi32>
    tpu.vector_store %arg5[%swap3A_412], %swap3A_415 {strides = array<i32>} : memref<3200xi32, #tpu.memory_space<vmem>>, vector<16xi32>,
    %get3A_416 = arith.constant 496 : index
    %get3A_417 = tpu.vector_load %arg5[%get3A_416] {strides = array<i32>} : memref<3200xi32, #tpu.memory_space<vmem>>, vector<16xi32>,
    %get3A_418 = vector.shape_cast %get3A_417 : vector<16xi32> to vector<16xi32>
    %max3A_419 = arith.constant 0 : i32
    %max3A_420 = vector.broadcast %max3A_419 : i32 to vector<16xi32>
    %max3A_421 = arith.maxsi %get3A_418, %max3A_420 : vector<16xi32>
    %min3A_422 = arith.constant 1000 : i32
    %min3A_423 = vector.broadcast %min3A_422 : i32 to vector<16xi32>
    %min3A_424 = arith.minsi %max3A_421, %min3A_423 : vector<16xi32>
    %swap3A_425 = arith.constant 496 : index
    %swap3A_426 = tpu.vector_load %arg5[%swap3A_425] {strides = array<i32>} : memref<3200xi32, #tpu.memory_space<vmem>>, vector<16xi32>,
    %swap3A_427 = vector.shape_cast %swap3A_426 : vector<16xi32> to vector<16xi32>
    %swap3A_428 = vector.shape_cast %min3A_424 : vector<16xi32> to vector<16xi32>
    tpu.vector_store %arg5[%swap3A_425], %swap3A_428 {strides = array<i32>} : memref<3200xi32, #tpu.memory_space<vmem>>, vector<16xi32>,
    %eq3A_429 = arith.constant 0 : i32
    %eq3A_430 = arith.cmpi eq, %arg1, %eq3A_429 : i32
    %convert_element_type3A_431 = arith.extui %eq3A_430 : i1 to i32
    %cond3A_432 = arith.constant 0 : i32
    %cond3A_433 = arith.cmpi ne, %convert_element_type3A_431, %cond3A_432 : i32
    scf.if %cond3A_433 {
      %dma_wait3A_768 = arith.constant 0 : i32
      %dma_wait3A_769 = tpu.memref_slice %arg8[%dma_wait3A_768] : memref<12x!tpu.dma_semaphore, #tpu.memory_space<semaphore_mem>> -> memref<1x!tpu.dma_semaphore, #tpu.memory_space<semaphore_mem>>
      %dma_wait3A_770 = tpu.memref_squeeze %dma_wait3A_769 : memref<1x!tpu.dma_semaphore, #tpu.memory_space<semaphore_mem>> -> memref<!tpu.dma_semaphore, #tpu.memory_space<semaphore_mem>>
      tpu.wait_dma2 semaphore(%dma_wait3A_770 : memref<!tpu.dma_semaphore, #tpu.memory_space<semaphore_mem>>) src(%arg3 : memref<1001x128xf32, #tpu.memory_space<hbm>>) dst(%arg7 : memref<1001x128xf32, #tpu.memory_space<vmem_shared>>)
    } else {
    }
    %barrier3A = arith.constant 0 : index
    tpu.barrier barrier_id(%barrier3A)
    %dma_start3A_434 = arith.constant 0 : i32
    %dma_start3A_435 = arith.constant 0 : i32
    %dma_start3A_436 = arith.constant 0 : i32
    %dma_start3A_437 = arith.constant 0 : i32
    %dma_start3A_438 = tpu.memref_slice %arg6[%dma_start3A_434, %dma_start3A_436, %dma_start3A_437] : memref<12x64x128xf32, #tpu.memory_space<vmem>> -> memref<1x64x128xf32, #tpu.memory_space<vmem>>
    %dma_start3A_439 = tpu.memref_squeeze %dma_start3A_438 : memref<1x64x128xf32, #tpu.memory_space<vmem>> -> memref<64x128xf32, #tpu.memory_space<vmem>>
    %dma_start3A_440 = arith.constant 0 : i32
    %dma_start3A_441 = tpu.memref_slice %arg5[%dma_start3A_440] : memref<3200xi32, #tpu.memory_space<vmem>> -> memref<64xi32, #tpu.memory_space<vmem>>
    %dma_start3A_442 = arith.constant 0 : i32
    %dma_start3A_443 = arith.constant 0 : i32
    %dma_start3A_444 = tpu.memref_slice %arg7[%dma_start3A_442, %dma_start3A_443] : memref<1001x128xf32, #tpu.memory_space<vmem_shared>> -> memref<1001x128xf32, #tpu.memory_space<vmem_shared>>
    %dma_start3A_445 = tpu.memref_slice %arg8[%dma_start3A_435] : memref<12x!tpu.dma_semaphore, #tpu.memory_space<semaphore_mem>> -> memref<1x!tpu.dma_semaphore, #tpu.memory_space<semaphore_mem>>
    %dma_start3A_446 = tpu.memref_squeeze %dma_start3A_445 : memref<1x!tpu.dma_semaphore, #tpu.memory_space<semaphore_mem>> -> memref<!tpu.dma_semaphore, #tpu.memory_space<semaphore_mem>>
    tpu.enqueue_indirect_dma source(%dma_start3A_444 : memref<1001x128xf32, #tpu.memory_space<vmem_shared>>) target(%dma_start3A_439 : memref<64x128xf32, #tpu.memory_space<vmem>>) offsets(%dma_start3A_441 : memref<64xi32, #tpu.memory_space<vmem>>) semaphore(%dma_start3A_446 : memref<!tpu.dma_semaphore, #tpu.memory_space<semaphore_mem>>)
    %dma_start3A_447 = arith.constant 1 : i32
    %dma_start3A_448 = arith.constant 1 : i32
    %dma_start3A_449 = arith.constant 0 : i32
    %dma_start3A_450 = arith.constant 0 : i32
    %dma_start3A_451 = tpu.memref_slice %arg6[%dma_start3A_447, %dma_start3A_449, %dma_start3A_450] : memref<12x64x128xf32, #tpu.memory_space<vmem>> -> memref<1x64x128xf32, #tpu.memory_space<vmem>>
    %dma_start3A_452 = tpu.memref_squeeze %dma_start3A_451 : memref<1x64x128xf32, #tpu.memory_space<vmem>> -> memref<64x128xf32, #tpu.memory_space<vmem>>
    %dma_start3A_453 = arith.constant 64 : i32
    %dma_start3A_454 = tpu.memref_slice %arg5[%dma_start3A_453] : memref<3200xi32, #tpu.memory_space<vmem>> -> memref<64xi32, #tpu.memory_space<vmem>>
    %dma_start3A_455 = arith.constant 0 : i32
    %dma_start3A_456 = arith.constant 0 : i32
    %dma_start3A_457 = tpu.memref_slice %arg7[%dma_start3A_455, %dma_start3A_456] : memref<1001x128xf32, #tpu.memory_space<vmem_shared>> -> memref<1001x128xf32, #tpu.memory_space<vmem_shared>>
    %dma_start3A_458 = tpu.memref_slice %arg8[%dma_start3A_448] : memref<12x!tpu.dma_semaphore, #tpu.memory_space<semaphore_mem>> -> memref<1x!tpu.dma_semaphore, #tpu.memory_space<semaphore_mem>>
    %dma_start3A_459 = tpu.memref_squeeze %dma_start3A_458 : memref<1x!tpu.dma_semaphore, #tpu.memory_space<semaphore_mem>> -> memref<!tpu.dma_semaphore, #tpu.memory_space<semaphore_mem>>
    tpu.enqueue_indirect_dma source(%dma_start3A_457 : memref<1001x128xf32, #tpu.memory_space<vmem_shared>>) target(%dma_start3A_452 : memref<64x128xf32, #tpu.memory_space<vmem>>) offsets(%dma_start3A_454 : memref<64xi32, #tpu.memory_space<vmem>>) semaphore(%dma_start3A_459 : memref<!tpu.dma_semaphore, #tpu.memory_space<semaphore_mem>>)
    %dma_start3A_460 = arith.constant 2 : i32
    %dma_start3A_461 = arith.constant 2 : i32
    %dma_start3A_462 = arith.constant 0 : i32
    %dma_start3A_463 = arith.constant 0 : i32
    %dma_start3A_464 = tpu.memref_slice %arg6[%dma_start3A_460, %dma_start3A_462, %dma_start3A_463] : memref<12x64x128xf32, #tpu.memory_space<vmem>> -> memref<1x64x128xf32, #tpu.memory_space<vmem>>
    %dma_start3A_465 = tpu.memref_squeeze %dma_start3A_464 : memref<1x64x128xf32, #tpu.memory_space<vmem>> -> memref<64x128xf32, #tpu.memory_space<vmem>>
    %dma_start3A_466 = arith.constant 128 : i32
    %dma_start3A_467 = tpu.memref_slice %arg5[%dma_start3A_466] : memref<3200xi32, #tpu.memory_space<vmem>> -> memref<64xi32, #tpu.memory_space<vmem>>
    %dma_start3A_468 = arith.constant 0 : i32
    %dma_start3A_469 = arith.constant 0 : i32
    %dma_start3A_470 = tpu.memref_slice %arg7[%dma_start3A_468, %dma_start3A_469] : memref<1001x128xf32, #tpu.memory_space<vmem_shared>> -> memref<1001x128xf32, #tpu.memory_space<vmem_shared>>
    %dma_start3A_471 = tpu.memref_slice %arg8[%dma_start3A_461] : memref<12x!tpu.dma_semaphore, #tpu.memory_space<semaphore_mem>> -> memref<1x!tpu.dma_semaphore, #tpu.memory_space<semaphore_mem>>
    %dma_start3A_472 = tpu.memref_squeeze %dma_start3A_471 : memref<1x!tpu.dma_semaphore, #tpu.memory_space<semaphore_mem>> -> memref<!tpu.dma_semaphore, #tpu.memory_space<semaphore_mem>>
    tpu.enqueue_indirect_dma source(%dma_start3A_470 : memref<1001x128xf32, #tpu.memory_space<vmem_shared>>) target(%dma_start3A_465 : memref<64x128xf32, #tpu.memory_space<vmem>>) offsets(%dma_start3A_467 : memref<64xi32, #tpu.memory_space<vmem>>) semaphore(%dma_start3A_472 : memref<!tpu.dma_semaphore, #tpu.memory_space<semaphore_mem>>)
    %dma_start3A_473 = arith.constant 3 : i32
    %dma_start3A_474 = arith.constant 3 : i32
    %dma_start3A_475 = arith.constant 0 : i32
    %dma_start3A_476 = arith.constant 0 : i32
    %dma_start3A_477 = tpu.memref_slice %arg6[%dma_start3A_473, %dma_start3A_475, %dma_start3A_476] : memref<12x64x128xf32, #tpu.memory_space<vmem>> -> memref<1x64x128xf32, #tpu.memory_space<vmem>>
    %dma_start3A_478 = tpu.memref_squeeze %dma_start3A_477 : memref<1x64x128xf32, #tpu.memory_space<vmem>> -> memref<64x128xf32, #tpu.memory_space<vmem>>
    %dma_start3A_479 = arith.constant 192 : i32
    %dma_start3A_480 = tpu.memref_slice %arg5[%dma_start3A_479] : memref<3200xi32, #tpu.memory_space<vmem>> -> memref<64xi32, #tpu.memory_space<vmem>>
    %dma_start3A_481 = arith.constant 0 : i32
    %dma_start3A_482 = arith.constant 0 : i32
    %dma_start3A_483 = tpu.memref_slice %arg7[%dma_start3A_481, %dma_start3A_482] : memref<1001x128xf32, #tpu.memory_space<vmem_shared>> -> memref<1001x128xf32, #tpu.memory_space<vmem_shared>>
    %dma_start3A_484 = tpu.memref_slice %arg8[%dma_start3A_474] : memref<12x!tpu.dma_semaphore, #tpu.memory_space<semaphore_mem>> -> memref<1x!tpu.dma_semaphore, #tpu.memory_space<semaphore_mem>>
    %dma_start3A_485 = tpu.memref_squeeze %dma_start3A_484 : memref<1x!tpu.dma_semaphore, #tpu.memory_space<semaphore_mem>> -> memref<!tpu.dma_semaphore, #tpu.memory_space<semaphore_mem>>
    tpu.enqueue_indirect_dma source(%dma_start3A_483 : memref<1001x128xf32, #tpu.memory_space<vmem_shared>>) target(%dma_start3A_478 : memref<64x128xf32, #tpu.memory_space<vmem>>) offsets(%dma_start3A_480 : memref<64xi32, #tpu.memory_space<vmem>>) semaphore(%dma_start3A_485 : memref<!tpu.dma_semaphore, #tpu.memory_space<semaphore_mem>>)
    %dma_start3A_486 = arith.constant 4 : i32
    %dma_start3A_487 = arith.constant 4 : i32
    %dma_start3A_488 = arith.constant 0 : i32
    %dma_start3A_489 = arith.constant 0 : i32
    %dma_start3A_490 = tpu.memref_slice %arg6[%dma_start3A_486, %dma_start3A_488, %dma_start3A_489] : memref<12x64x128xf32, #tpu.memory_space<vmem>> -> memref<1x64x128xf32, #tpu.memory_space<vmem>>
    %dma_start3A_491 = tpu.memref_squeeze %dma_start3A_490 : memref<1x64x128xf32, #tpu.memory_space<vmem>> -> memref<64x128xf32, #tpu.memory_space<vmem>>
    %dma_start3A_492 = arith.constant 256 : i32
    %dma_start3A_493 = tpu.memref_slice %arg5[%dma_start3A_492] : memref<3200xi32, #tpu.memory_space<vmem>> -> memref<64xi32, #tpu.memory_space<vmem>>
    %dma_start3A_494 = arith.constant 0 : i32
    %dma_start3A_495 = arith.constant 0 : i32
    %dma_start3A_496 = tpu.memref_slice %arg7[%dma_start3A_494, %dma_start3A_495] : memref<1001x128xf32, #tpu.memory_space<vmem_shared>> -> memref<1001x128xf32, #tpu.memory_space<vmem_shared>>
    %dma_start3A_497 = tpu.memref_slice %arg8[%dma_start3A_487] : memref<12x!tpu.dma_semaphore, #tpu.memory_space<semaphore_mem>> -> memref<1x!tpu.dma_semaphore, #tpu.memory_space<semaphore_mem>>
    %dma_start3A_498 = tpu.memref_squeeze %dma_start3A_497 : memref<1x!tpu.dma_semaphore, #tpu.memory_space<semaphore_mem>> -> memref<!tpu.dma_semaphore, #tpu.memory_space<semaphore_mem>>
    tpu.enqueue_indirect_dma source(%dma_start3A_496 : memref<1001x128xf32, #tpu.memory_space<vmem_shared>>) target(%dma_start3A_491 : memref<64x128xf32, #tpu.memory_space<vmem>>) offsets(%dma_start3A_493 : memref<64xi32, #tpu.memory_space<vmem>>) semaphore(%dma_start3A_498 : memref<!tpu.dma_semaphore, #tpu.memory_space<semaphore_mem>>)
    %dma_start3A_499 = arith.constant 5 : i32
    %dma_start3A_500 = arith.constant 5 : i32
    %dma_start3A_501 = arith.constant 0 : i32
    %dma_start3A_502 = arith.constant 0 : i32
    %dma_start3A_503 = tpu.memref_slice %arg6[%dma_start3A_499, %dma_start3A_501, %dma_start3A_502] : memref<12x64x128xf32, #tpu.memory_space<vmem>> -> memref<1x64x128xf32, #tpu.memory_space<vmem>>
    %dma_start3A_504 = tpu.memref_squeeze %dma_start3A_503 : memref<1x64x128xf32, #tpu.memory_space<vmem>> -> memref<64x128xf32, #tpu.memory_space<vmem>>
    %dma_start3A_505 = arith.constant 320 : i32
    %dma_start3A_506 = tpu.memref_slice %arg5[%dma_start3A_505] : memref<3200xi32, #tpu.memory_space<vmem>> -> memref<64xi32, #tpu.memory_space<vmem>>
    %dma_start3A_507 = arith.constant 0 : i32
    %dma_start3A_508 = arith.constant 0 : i32
    %dma_start3A_509 = tpu.memref_slice %arg7[%dma_start3A_507, %dma_start3A_508] : memref<1001x128xf32, #tpu.memory_space<vmem_shared>> -> memref<1001x128xf32, #tpu.memory_space<vmem_shared>>
    %dma_start3A_510 = tpu.memref_slice %arg8[%dma_start3A_500] : memref<12x!tpu.dma_semaphore, #tpu.memory_space<semaphore_mem>> -> memref<1x!tpu.dma_semaphore, #tpu.memory_space<semaphore_mem>>
    %dma_start3A_511 = tpu.memref_squeeze %dma_start3A_510 : memref<1x!tpu.dma_semaphore, #tpu.memory_space<semaphore_mem>> -> memref<!tpu.dma_semaphore, #tpu.memory_space<semaphore_mem>>
    tpu.enqueue_indirect_dma source(%dma_start3A_509 : memref<1001x128xf32, #tpu.memory_space<vmem_shared>>) target(%dma_start3A_504 : memref<64x128xf32, #tpu.memory_space<vmem>>) offsets(%dma_start3A_506 : memref<64xi32, #tpu.memory_space<vmem>>) semaphore(%dma_start3A_511 : memref<!tpu.dma_semaphore, #tpu.memory_space<semaphore_mem>>)
    %dma_start3A_512 = arith.constant 6 : i32
    %dma_start3A_513 = arith.constant 6 : i32
    %dma_start3A_514 = arith.constant 0 : i32
    %dma_start3A_515 = arith.constant 0 : i32
    %dma_start3A_516 = tpu.memref_slice %arg6[%dma_start3A_512, %dma_start3A_514, %dma_start3A_515] : memref<12x64x128xf32, #tpu.memory_space<vmem>> -> memref<1x64x128xf32, #tpu.memory_space<vmem>>
    %dma_start3A_517 = tpu.memref_squeeze %dma_start3A_516 : memref<1x64x128xf32, #tpu.memory_space<vmem>> -> memref<64x128xf32, #tpu.memory_space<vmem>>
    %dma_start3A_518 = arith.constant 384 : i32
    %dma_start3A_519 = tpu.memref_slice %arg5[%dma_start3A_518] : memref<3200xi32, #tpu.memory_space<vmem>> -> memref<64xi32, #tpu.memory_space<vmem>>
    %dma_start3A_520 = arith.constant 0 : i32
    %dma_start3A_521 = arith.constant 0 : i32
    %dma_start3A_522 = tpu.memref_slice %arg7[%dma_start3A_520, %dma_start3A_521] : memref<1001x128xf32, #tpu.memory_space<vmem_shared>> -> memref<1001x128xf32, #tpu.memory_space<vmem_shared>>
    %dma_start3A_523 = tpu.memref_slice %arg8[%dma_start3A_513] : memref<12x!tpu.dma_semaphore, #tpu.memory_space<semaphore_mem>> -> memref<1x!tpu.dma_semaphore, #tpu.memory_space<semaphore_mem>>
    %dma_start3A_524 = tpu.memref_squeeze %dma_start3A_523 : memref<1x!tpu.dma_semaphore, #tpu.memory_space<semaphore_mem>> -> memref<!tpu.dma_semaphore, #tpu.memory_space<semaphore_mem>>
    tpu.enqueue_indirect_dma source(%dma_start3A_522 : memref<1001x128xf32, #tpu.memory_space<vmem_shared>>) target(%dma_start3A_517 : memref<64x128xf32, #tpu.memory_space<vmem>>) offsets(%dma_start3A_519 : memref<64xi32, #tpu.memory_space<vmem>>) semaphore(%dma_start3A_524 : memref<!tpu.dma_semaphore, #tpu.memory_space<semaphore_mem>>)
    %dma_start3A_525 = arith.constant 7 : i32
    %dma_start3A_526 = arith.constant 7 : i32
    %dma_start3A_527 = arith.constant 0 : i32
    %dma_start3A_528 = arith.constant 0 : i32
    %dma_start3A_529 = tpu.memref_slice %arg6[%dma_start3A_525, %dma_start3A_527, %dma_start3A_528] : memref<12x64x128xf32, #tpu.memory_space<vmem>> -> memref<1x64x128xf32, #tpu.memory_space<vmem>>
    %dma_start3A_530 = tpu.memref_squeeze %dma_start3A_529 : memref<1x64x128xf32, #tpu.memory_space<vmem>> -> memref<64x128xf32, #tpu.memory_space<vmem>>
    %dma_start3A_531 = arith.constant 448 : i32
    %dma_start3A_532 = tpu.memref_slice %arg5[%dma_start3A_531] : memref<3200xi32, #tpu.memory_space<vmem>> -> memref<64xi32, #tpu.memory_space<vmem>>
    %dma_start3A_533 = arith.constant 0 : i32
    %dma_start3A_534 = arith.constant 0 : i32
    %dma_start3A_535 = tpu.memref_slice %arg7[%dma_start3A_533, %dma_start3A_534] : memref<1001x128xf32, #tpu.memory_space<vmem_shared>> -> memref<1001x128xf32, #tpu.memory_space<vmem_shared>>
    %dma_start3A_536 = tpu.memref_slice %arg8[%dma_start3A_526] : memref<12x!tpu.dma_semaphore, #tpu.memory_space<semaphore_mem>> -> memref<1x!tpu.dma_semaphore, #tpu.memory_space<semaphore_mem>>
    %dma_start3A_537 = tpu.memref_squeeze %dma_start3A_536 : memref<1x!tpu.dma_semaphore, #tpu.memory_space<semaphore_mem>> -> memref<!tpu.dma_semaphore, #tpu.memory_space<semaphore_mem>>
    tpu.enqueue_indirect_dma source(%dma_start3A_535 : memref<1001x128xf32, #tpu.memory_space<vmem_shared>>) target(%dma_start3A_530 : memref<64x128xf32, #tpu.memory_space<vmem>>) offsets(%dma_start3A_532 : memref<64xi32, #tpu.memory_space<vmem>>) semaphore(%dma_start3A_537 : memref<!tpu.dma_semaphore, #tpu.memory_space<semaphore_mem>>)
    %add3A_538 = arith.constant 512 : i32
    %add3A_539 = arith.addi %min3A_3, %add3A_538 : i32
    %dma_wait3A = arith.constant 0 : i32
    %dma_wait3A_540 = arith.constant 512 : i32
    %dma_wait3A_541 = tpu.memref_slice %arg5[%dma_wait3A_540] : memref<3200xi32, #tpu.memory_space<vmem>> -> memref<2688xi32, #tpu.memory_space<vmem>>
    %dma_wait3A_542 = tpu.memref_slice %arg2[%add3A_539] : memref<100000xi32, #tpu.memory_space<hbm>> -> memref<2688xi32, #tpu.memory_space<hbm>>
    %dma_wait3A_543 = tpu.memref_slice %arg9[%dma_wait3A] : memref<12x!tpu.dma_semaphore, #tpu.memory_space<semaphore_mem>> -> memref<1x!tpu.dma_semaphore, #tpu.memory_space<semaphore_mem>>
    %dma_wait3A_544 = tpu.memref_squeeze %dma_wait3A_543 : memref<1x!tpu.dma_semaphore, #tpu.memory_space<semaphore_mem>> -> memref<!tpu.dma_semaphore, #tpu.memory_space<semaphore_mem>>
    %dma_wait3A_545 = arith.constant 512 : i32
    %dma_wait3A_546 = tpu.memref_slice %arg5[%dma_wait3A_545] : memref<3200xi32, #tpu.memory_space<vmem>> -> memref<2688xi32, #tpu.memory_space<vmem>>
    %dma_wait3A_547 = tpu.memref_slice %arg2[%add3A_539] : memref<100000xi32, #tpu.memory_space<hbm>> -> memref<2688xi32, #tpu.memory_space<hbm>>
    tpu.wait_dma2 semaphore(%dma_wait3A_544 : memref<!tpu.dma_semaphore, #tpu.memory_space<semaphore_mem>>) src(%dma_wait3A_547 : memref<2688xi32, #tpu.memory_space<hbm>>) dst(%dma_wait3A_546 : memref<2688xi32, #tpu.memory_space<vmem>>)
    %scan3A = arith.constant 0 : i32
    %scan3A_548 = arith.constant 50 : i32
    %scan3A_549 = arith.addi %scan3A, %scan3A_548 : i32
    %scan3A_550 = arith.constant 1 : i32
    scf.for %scan3A_768 = %scan3A to %scan3A_549 step %scan3A_550  : i32 {
      %add3A_769 = arith.constant 8 : i32
      %add3A_770 = arith.addi %scan3A_768, %add3A_769 : i32
      %lt3A = arith.constant 50 : i32
      %lt3A_771 = arith.cmpi slt, %add3A_770, %lt3A : i32
      %convert_element_type3A_772 = arith.extui %lt3A_771 : i1 to i32
      %cond3A_773 = arith.constant 0 : i32
      %cond3A_774 = arith.cmpi ne, %convert_element_type3A_772, %cond3A_773 : i32
      scf.if %cond3A_774 {
        %rem3A_804 = arith.constant 12 : i32
        %rem3A_805 = arith.remsi %add3A_770, %rem3A_804 : i32
        %ge3A = arith.constant 12 : i32
        %ge3A_806 = arith.cmpi sge, %add3A_770, %ge3A : i32
        %convert_element_type3A_807 = arith.extui %ge3A_806 : i1 to i32
        %cond3A_808 = arith.constant 0 : i32
        %cond3A_809 = arith.cmpi ne, %convert_element_type3A_807, %cond3A_808 : i32
        scf.if %cond3A_809 {
          %dma_wait3A_890 = arith.constant 0 : i32
          %dma_wait3A_891 = arith.constant 0 : i32
          %dma_wait3A_892 = tpu.memref_slice %arg6[%rem3A_805, %dma_wait3A_890, %dma_wait3A_891] : memref<12x64x128xf32, #tpu.memory_space<vmem>> -> memref<1x64x128xf32, #tpu.memory_space<vmem>>
          %dma_wait3A_893 = tpu.memref_squeeze %dma_wait3A_892 : memref<1x64x128xf32, #tpu.memory_space<vmem>> -> memref<64x128xf32, #tpu.memory_space<vmem>>
          %dma_wait3A_894 = arith.constant 0 : i32
          %dma_wait3A_895 = arith.constant 0 : i32
          %dma_wait3A_896 = tpu.memref_slice %arg4[%dma_wait3A_894, %dma_wait3A_895] : memref<100000x128xf32, #tpu.memory_space<hbm>> -> memref<64x128xf32, #tpu.memory_space<hbm>>
          %dma_wait3A_897 = tpu.memref_slice %arg9[%rem3A_805] : memref<12x!tpu.dma_semaphore, #tpu.memory_space<semaphore_mem>> -> memref<1x!tpu.dma_semaphore, #tpu.memory_space<semaphore_mem>>
          %dma_wait3A_898 = tpu.memref_squeeze %dma_wait3A_897 : memref<1x!tpu.dma_semaphore, #tpu.memory_space<semaphore_mem>> -> memref<!tpu.dma_semaphore, #tpu.memory_space<semaphore_mem>>
          %dma_wait3A_899 = arith.constant 0 : i32
          %dma_wait3A_900 = arith.constant 0 : i32
          %dma_wait3A_901 = tpu.memref_slice %arg4[%dma_wait3A_899, %dma_wait3A_900] : memref<100000x128xf32, #tpu.memory_space<hbm>> -> memref<64x128xf32, #tpu.memory_space<hbm>>
          %dma_wait3A_902 = arith.constant 0 : i32
          %dma_wait3A_903 = arith.constant 0 : i32
          %dma_wait3A_904 = tpu.memref_slice %arg6[%rem3A_805, %dma_wait3A_902, %dma_wait3A_903] : memref<12x64x128xf32, #tpu.memory_space<vmem>> -> memref<1x64x128xf32, #tpu.memory_space<vmem>>
          %dma_wait3A_905 = tpu.memref_squeeze %dma_wait3A_904 : memref<1x64x128xf32, #tpu.memory_space<vmem>> -> memref<64x128xf32, #tpu.memory_space<vmem>>
          tpu.wait_dma2 semaphore(%dma_wait3A_898 : memref<!tpu.dma_semaphore, #tpu.memory_space<semaphore_mem>>) src(%dma_wait3A_905 : memref<64x128xf32, #tpu.memory_space<vmem>>) dst(%dma_wait3A_901 : memref<64x128xf32, #tpu.memory_space<hbm>>)
        } else {
        }
        %mul3A_810 = arith.constant 64 : i32
        %mul3A_811 = arith.muli %add3A_770, %mul3A_810 : i32
        %add3A_812 = arith.constant 0 : i32
        %add3A_813 = arith.addi %mul3A_811, %add3A_812 : i32
        %get3A_814 = arith.index_cast %add3A_813 : i32 to index
        %get3A_815 = tpu.vector_load %arg5[%get3A_814] {strides = array<i32>} : memref<3200xi32, #tpu.memory_space<vmem>>, vector<16xi32>,
        %get3A_816 = vector.shape_cast %get3A_815 : vector<16xi32> to vector<16xi32>
        %max3A_817 = arith.constant 0 : i32
        %max3A_818 = vector.broadcast %max3A_817 : i32 to vector<16xi32>
        %max3A_819 = arith.maxsi %get3A_816, %max3A_818 : vector<16xi32>
        %min3A_820 = arith.constant 1000 : i32
        %min3A_821 = vector.broadcast %min3A_820 : i32 to vector<16xi32>
        %min3A_822 = arith.minsi %max3A_819, %min3A_821 : vector<16xi32>
        %swap3A_823 = arith.index_cast %add3A_813 : i32 to index
        %swap3A_824 = tpu.vector_load %arg5[%swap3A_823] {strides = array<i32>} : memref<3200xi32, #tpu.memory_space<vmem>>, vector<16xi32>,
        %swap3A_825 = vector.shape_cast %swap3A_824 : vector<16xi32> to vector<16xi32>
        %swap3A_826 = vector.shape_cast %min3A_822 : vector<16xi32> to vector<16xi32>
        tpu.vector_store %arg5[%swap3A_823], %swap3A_826 {strides = array<i32>} : memref<3200xi32, #tpu.memory_space<vmem>>, vector<16xi32>,
        %mul3A_827 = arith.constant 64 : i32
        %mul3A_828 = arith.muli %add3A_770, %mul3A_827 : i32
        %add3A_829 = arith.constant 16 : i32
        %add3A_830 = arith.addi %mul3A_828, %add3A_829 : i32
        %get3A_831 = arith.index_cast %add3A_830 : i32 to index
        %get3A_832 = tpu.vector_load %arg5[%get3A_831] {strides = array<i32>} : memref<3200xi32, #tpu.memory_space<vmem>>, vector<16xi32>,
        %get3A_833 = vector.shape_cast %get3A_832 : vector<16xi32> to vector<16xi32>
        %max3A_834 = arith.constant 0 : i32
        %max3A_835 = vector.broadcast %max3A_834 : i32 to vector<16xi32>
        %max3A_836 = arith.maxsi %get3A_833, %max3A_835 : vector<16xi32>
        %min3A_837 = arith.constant 1000 : i32
        %min3A_838 = vector.broadcast %min3A_837 : i32 to vector<16xi32>
        %min3A_839 = arith.minsi %max3A_836, %min3A_838 : vector<16xi32>
        %swap3A_840 = arith.index_cast %add3A_830 : i32 to index
        %swap3A_841 = tpu.vector_load %arg5[%swap3A_840] {strides = array<i32>} : memref<3200xi32, #tpu.memory_space<vmem>>, vector<16xi32>,
        %swap3A_842 = vector.shape_cast %swap3A_841 : vector<16xi32> to vector<16xi32>
        %swap3A_843 = vector.shape_cast %min3A_839 : vector<16xi32> to vector<16xi32>
        tpu.vector_store %arg5[%swap3A_840], %swap3A_843 {strides = array<i32>} : memref<3200xi32, #tpu.memory_space<vmem>>, vector<16xi32>,
        %mul3A_844 = arith.constant 64 : i32
        %mul3A_845 = arith.muli %add3A_770, %mul3A_844 : i32
        %add3A_846 = arith.constant 32 : i32
        %add3A_847 = arith.addi %mul3A_845, %add3A_846 : i32
        %get3A_848 = arith.index_cast %add3A_847 : i32 to index
        %get3A_849 = tpu.vector_load %arg5[%get3A_848] {strides = array<i32>} : memref<3200xi32, #tpu.memory_space<vmem>>, vector<16xi32>,
        %get3A_850 = vector.shape_cast %get3A_849 : vector<16xi32> to vector<16xi32>
        %max3A_851 = arith.constant 0 : i32
        %max3A_852 = vector.broadcast %max3A_851 : i32 to vector<16xi32>
        %max3A_853 = arith.maxsi %get3A_850, %max3A_852 : vector<16xi32>
        %min3A_854 = arith.constant 1000 : i32
        %min3A_855 = vector.broadcast %min3A_854 : i32 to vector<16xi32>
        %min3A_856 = arith.minsi %max3A_853, %min3A_855 : vector<16xi32>
        %swap3A_857 = arith.index_cast %add3A_847 : i32 to index
        %swap3A_858 = tpu.vector_load %arg5[%swap3A_857] {strides = array<i32>} : memref<3200xi32, #tpu.memory_space<vmem>>, vector<16xi32>,
        %swap3A_859 = vector.shape_cast %swap3A_858 : vector<16xi32> to vector<16xi32>
        %swap3A_860 = vector.shape_cast %min3A_856 : vector<16xi32> to vector<16xi32>
        tpu.vector_store %arg5[%swap3A_857], %swap3A_860 {strides = array<i32>} : memref<3200xi32, #tpu.memory_space<vmem>>, vector<16xi32>,
        %mul3A_861 = arith.constant 64 : i32
        %mul3A_862 = arith.muli %add3A_770, %mul3A_861 : i32
        %add3A_863 = arith.constant 48 : i32
        %add3A_864 = arith.addi %mul3A_862, %add3A_863 : i32
        %get3A_865 = arith.index_cast %add3A_864 : i32 to index
        %get3A_866 = tpu.vector_load %arg5[%get3A_865] {strides = array<i32>} : memref<3200xi32, #tpu.memory_space<vmem>>, vector<16xi32>,
        %get3A_867 = vector.shape_cast %get3A_866 : vector<16xi32> to vector<16xi32>
        %max3A_868 = arith.constant 0 : i32
        %max3A_869 = vector.broadcast %max3A_868 : i32 to vector<16xi32>
        %max3A_870 = arith.maxsi %get3A_867, %max3A_869 : vector<16xi32>
        %min3A_871 = arith.constant 1000 : i32
        %min3A_872 = vector.broadcast %min3A_871 : i32 to vector<16xi32>
        %min3A_873 = arith.minsi %max3A_870, %min3A_872 : vector<16xi32>
        %swap3A_874 = arith.index_cast %add3A_864 : i32 to index
        %swap3A_875 = tpu.vector_load %arg5[%swap3A_874] {strides = array<i32>} : memref<3200xi32, #tpu.memory_space<vmem>>, vector<16xi32>,
        %swap3A_876 = vector.shape_cast %swap3A_875 : vector<16xi32> to vector<16xi32>
        %swap3A_877 = vector.shape_cast %min3A_873 : vector<16xi32> to vector<16xi32>
        tpu.vector_store %arg5[%swap3A_874], %swap3A_877 {strides = array<i32>} : memref<3200xi32, #tpu.memory_space<vmem>>, vector<16xi32>,
        %mul3A_878 = arith.constant 64 : i32
        %mul3A_879 = arith.muli %add3A_770, %mul3A_878 : i32
        %dma_start3A_880 = arith.constant 0 : i32
        %dma_start3A_881 = arith.constant 0 : i32
        %dma_start3A_882 = tpu.memref_slice %arg6[%rem3A_805, %dma_start3A_880, %dma_start3A_881] : memref<12x64x128xf32, #tpu.memory_space<vmem>> -> memref<1x64x128xf32, #tpu.memory_space<vmem>>
        %dma_start3A_883 = tpu.memref_squeeze %dma_start3A_882 : memref<1x64x128xf32, #tpu.memory_space<vmem>> -> memref<64x128xf32, #tpu.memory_space<vmem>>
        %dma_start3A_884 = tpu.memref_slice %arg5[%mul3A_879] : memref<3200xi32, #tpu.memory_space<vmem>> -> memref<64xi32, #tpu.memory_space<vmem>>
        %dma_start3A_885 = arith.constant 0 : i32
        %dma_start3A_886 = arith.constant 0 : i32
        %dma_start3A_887 = tpu.memref_slice %arg7[%dma_start3A_885, %dma_start3A_886] : memref<1001x128xf32, #tpu.memory_space<vmem_shared>> -> memref<1001x128xf32, #tpu.memory_space<vmem_shared>>
        %dma_start3A_888 = tpu.memref_slice %arg8[%rem3A_805] : memref<12x!tpu.dma_semaphore, #tpu.memory_space<semaphore_mem>> -> memref<1x!tpu.dma_semaphore, #tpu.memory_space<semaphore_mem>>
        %dma_start3A_889 = tpu.memref_squeeze %dma_start3A_888 : memref<1x!tpu.dma_semaphore, #tpu.memory_space<semaphore_mem>> -> memref<!tpu.dma_semaphore, #tpu.memory_space<semaphore_mem>>
        tpu.enqueue_indirect_dma source(%dma_start3A_887 : memref<1001x128xf32, #tpu.memory_space<vmem_shared>>) target(%dma_start3A_883 : memref<64x128xf32, #tpu.memory_space<vmem>>) offsets(%dma_start3A_884 : memref<64xi32, #tpu.memory_space<vmem>>) semaphore(%dma_start3A_889 : memref<!tpu.dma_semaphore, #tpu.memory_space<semaphore_mem>>)
      } else {
      }
      %rem3A = arith.constant 12 : i32
      %rem3A_775 = arith.remsi %scan3A_768, %rem3A : i32
      %dma_wait3A_776 = arith.constant 0 : i32
      %dma_wait3A_777 = arith.constant 0 : i32
      %dma_wait3A_778 = tpu.memref_slice %arg6[%rem3A_775, %dma_wait3A_776, %dma_wait3A_777] : memref<12x64x128xf32, #tpu.memory_space<vmem>> -> memref<1x64x128xf32, #tpu.memory_space<vmem>>
      %dma_wait3A_779 = tpu.memref_squeeze %dma_wait3A_778 : memref<1x64x128xf32, #tpu.memory_space<vmem>> -> memref<64x128xf32, #tpu.memory_space<vmem>>
      %dma_wait3A_780 = arith.constant 0 : i32
      %dma_wait3A_781 = tpu.memref_slice %arg5[%dma_wait3A_780] : memref<3200xi32, #tpu.memory_space<vmem>> -> memref<64xi32, #tpu.memory_space<vmem>>
      %dma_wait3A_782 = arith.constant 0 : i32
      %dma_wait3A_783 = arith.constant 0 : i32
      %dma_wait3A_784 = tpu.memref_slice %arg7[%dma_wait3A_782, %dma_wait3A_783] : memref<1001x128xf32, #tpu.memory_space<vmem_shared>> -> memref<1001x128xf32, #tpu.memory_space<vmem_shared>>
      %dma_wait3A_785 = tpu.memref_slice %arg8[%rem3A_775] : memref<12x!tpu.dma_semaphore, #tpu.memory_space<semaphore_mem>> -> memref<1x!tpu.dma_semaphore, #tpu.memory_space<semaphore_mem>>
      %dma_wait3A_786 = tpu.memref_squeeze %dma_wait3A_785 : memref<1x!tpu.dma_semaphore, #tpu.memory_space<semaphore_mem>> -> memref<!tpu.dma_semaphore, #tpu.memory_space<semaphore_mem>>
      tpu.wait_indirect_dma semaphore(%dma_wait3A_786 : memref<!tpu.dma_semaphore, #tpu.memory_space<semaphore_mem>>) src(%dma_wait3A_784 : memref<1001x128xf32, #tpu.memory_space<vmem_shared>>) dst(%dma_wait3A_779 : memref<64x128xf32, #tpu.memory_space<vmem>>)
      %mul3A_787 = arith.constant 64 : i32
      %mul3A_788 = arith.muli %scan3A_768, %mul3A_787 : i32
      %add3A_789 = arith.addi %min3A_3, %mul3A_788 : i32
      %dma_start3A_790 = arith.constant 0 : i32
      %dma_start3A_791 = arith.constant 0 : i32
      %dma_start3A_792 = tpu.memref_slice %arg6[%rem3A_775, %dma_start3A_790, %dma_start3A_791] : memref<12x64x128xf32, #tpu.memory_space<vmem>> -> memref<1x64x128xf32, #tpu.memory_space<vmem>>
      %dma_start3A_793 = tpu.memref_squeeze %dma_start3A_792 : memref<1x64x128xf32, #tpu.memory_space<vmem>> -> memref<64x128xf32, #tpu.memory_space<vmem>>
      %dma_start3A_794 = arith.constant 0 : i32
      %dma_start3A_795 = tpu.memref_slice %arg4[%add3A_789, %dma_start3A_794] : memref<100000x128xf32, #tpu.memory_space<hbm>> -> memref<64x128xf32, #tpu.memory_space<hbm>>
      %dma_start3A_796 = tpu.memref_slice %arg9[%rem3A_775] : memref<12x!tpu.dma_semaphore, #tpu.memory_space<semaphore_mem>> -> memref<1x!tpu.dma_semaphore, #tpu.memory_space<semaphore_mem>>
      %dma_start3A_797 = tpu.memref_squeeze %dma_start3A_796 : memref<1x!tpu.dma_semaphore, #tpu.memory_space<semaphore_mem>> -> memref<!tpu.dma_semaphore, #tpu.memory_space<semaphore_mem>>
      %dma_start3A_798 = arith.constant 0 : i32
      %dma_start3A_799 = tpu.memref_slice %arg4[%add3A_789, %dma_start3A_798] : memref<100000x128xf32, #tpu.memory_space<hbm>> -> memref<64x128xf32, #tpu.memory_space<hbm>>
      %dma_start3A_800 = arith.constant 0 : i32
      %dma_start3A_801 = arith.constant 0 : i32
      %dma_start3A_802 = tpu.memref_slice %arg6[%rem3A_775, %dma_start3A_800, %dma_start3A_801] : memref<12x64x128xf32, #tpu.memory_space<vmem>> -> memref<1x64x128xf32, #tpu.memory_space<vmem>>
      %dma_start3A_803 = tpu.memref_squeeze %dma_start3A_802 : memref<1x64x128xf32, #tpu.memory_space<vmem>> -> memref<64x128xf32, #tpu.memory_space<vmem>>
      tpu.enqueue_dma source(%dma_start3A_803 : memref<64x128xf32, #tpu.memory_space<vmem>>) target(%dma_start3A_799 : memref<64x128xf32, #tpu.memory_space<hbm>>) target_semaphore(%dma_start3A_797 : memref<!tpu.dma_semaphore, #tpu.memory_space<semaphore_mem>>)
    }
    %scan3A_551 = arith.constant 50 : i32
    %dma_wait3A_552 = arith.constant 0 : i32
    %dma_wait3A_553 = arith.constant 0 : i32
    %dma_wait3A_554 = arith.constant 0 : i32
    %dma_wait3A_555 = arith.constant 0 : i32
    %dma_wait3A_556 = tpu.memref_slice %arg6[%dma_wait3A_552, %dma_wait3A_554, %dma_wait3A_555] : memref<12x64x128xf32, #tpu.memory_space<vmem>> -> memref<1x64x128xf32, #tpu.memory_space<vmem>>
    %dma_wait3A_557 = tpu.memref_squeeze %dma_wait3A_556 : memref<1x64x128xf32, #tpu.memory_space<vmem>> -> memref<64x128xf32, #tpu.memory_space<vmem>>
    %dma_wait3A_558 = arith.constant 0 : i32
    %dma_wait3A_559 = arith.constant 0 : i32
    %dma_wait3A_560 = tpu.memref_slice %arg4[%dma_wait3A_558, %dma_wait3A_559] : memref<100000x128xf32, #tpu.memory_space<hbm>> -> memref<64x128xf32, #tpu.memory_space<hbm>>
    %dma_wait3A_561 = tpu.memref_slice %arg9[%dma_wait3A_553] : memref<12x!tpu.dma_semaphore, #tpu.memory_space<semaphore_mem>> -> memref<1x!tpu.dma_semaphore, #tpu.memory_space<semaphore_mem>>
    %dma_wait3A_562 = tpu.memref_squeeze %dma_wait3A_561 : memref<1x!tpu.dma_semaphore, #tpu.memory_space<semaphore_mem>> -> memref<!tpu.dma_semaphore, #tpu.memory_space<semaphore_mem>>
    %dma_wait3A_563 = arith.constant 0 : i32
    %dma_wait3A_564 = arith.constant 0 : i32
    %dma_wait3A_565 = tpu.memref_slice %arg4[%dma_wait3A_563, %dma_wait3A_564] : memref<100000x128xf32, #tpu.memory_space<hbm>> -> memref<64x128xf32, #tpu.memory_space<hbm>>
    %dma_wait3A_566 = arith.constant 0 : i32
    %dma_wait3A_567 = arith.constant 0 : i32
    %dma_wait3A_568 = tpu.memref_slice %arg6[%dma_wait3A_552, %dma_wait3A_566, %dma_wait3A_567] : memref<12x64x128xf32, #tpu.memory_space<vmem>> -> memref<1x64x128xf32, #tpu.memory_space<vmem>>
    %dma_wait3A_569 = tpu.memref_squeeze %dma_wait3A_568 : memref<1x64x128xf32, #tpu.memory_space<vmem>> -> memref<64x128xf32, #tpu.memory_space<vmem>>
    tpu.wait_dma2 semaphore(%dma_wait3A_562 : memref<!tpu.dma_semaphore, #tpu.memory_space<semaphore_mem>>) src(%dma_wait3A_569 : memref<64x128xf32, #tpu.memory_space<vmem>>) dst(%dma_wait3A_565 : memref<64x128xf32, #tpu.memory_space<hbm>>)
    %dma_wait3A_570 = arith.constant 1 : i32
    %dma_wait3A_571 = arith.constant 1 : i32
    %dma_wait3A_572 = arith.constant 0 : i32
    %dma_wait3A_573 = arith.constant 0 : i32
    %dma_wait3A_574 = tpu.memref_slice %arg6[%dma_wait3A_570, %dma_wait3A_572, %dma_wait3A_573] : memref<12x64x128xf32, #tpu.memory_space<vmem>> -> memref<1x64x128xf32, #tpu.memory_space<vmem>>
    %dma_wait3A_575 = tpu.memref_squeeze %dma_wait3A_574 : memref<1x64x128xf32, #tpu.memory_space<vmem>> -> memref<64x128xf32, #tpu.memory_space<vmem>>
    %dma_wait3A_576 = arith.constant 0 : i32
    %dma_wait3A_577 = arith.constant 0 : i32
    %dma_wait3A_578 = tpu.memref_slice %arg4[%dma_wait3A_576, %dma_wait3A_577] : memref<100000x128xf32, #tpu.memory_space<hbm>> -> memref<64x128xf32, #tpu.memory_space<hbm>>
    %dma_wait3A_579 = tpu.memref_slice %arg9[%dma_wait3A_571] : memref<12x!tpu.dma_semaphore, #tpu.memory_space<semaphore_mem>> -> memref<1x!tpu.dma_semaphore, #tpu.memory_space<semaphore_mem>>
    %dma_wait3A_580 = tpu.memref_squeeze %dma_wait3A_579 : memref<1x!tpu.dma_semaphore, #tpu.memory_space<semaphore_mem>> -> memref<!tpu.dma_semaphore, #tpu.memory_space<semaphore_mem>>
    %dma_wait3A_581 = arith.constant 0 : i32
    %dma_wait3A_582 = arith.constant 0 : i32
    %dma_wait3A_583 = tpu.memref_slice %arg4[%dma_wait3A_581, %dma_wait3A_582] : memref<100000x128xf32, #tpu.memory_space<hbm>> -> memref<64x128xf32, #tpu.memory_space<hbm>>
    %dma_wait3A_584 = arith.constant 0 : i32
    %dma_wait3A_585 = arith.constant 0 : i32
    %dma_wait3A_586 = tpu.memref_slice %arg6[%dma_wait3A_570, %dma_wait3A_584, %dma_wait3A_585] : memref<12x64x128xf32, #tpu.memory_space<vmem>> -> memref<1x64x128xf32, #tpu.memory_space<vmem>>
    %dma_wait3A_587 = tpu.memref_squeeze %dma_wait3A_586 : memref<1x64x128xf32, #tpu.memory_space<vmem>> -> memref<64x128xf32, #tpu.memory_space<vmem>>
    tpu.wait_dma2 semaphore(%dma_wait3A_580 : memref<!tpu.dma_semaphore, #tpu.memory_space<semaphore_mem>>) src(%dma_wait3A_587 : memref<64x128xf32, #tpu.memory_space<vmem>>) dst(%dma_wait3A_583 : memref<64x128xf32, #tpu.memory_space<hbm>>)
    %dma_wait3A_588 = arith.constant 2 : i32
    %dma_wait3A_589 = arith.constant 2 : i32
    %dma_wait3A_590 = arith.constant 0 : i32
    %dma_wait3A_591 = arith.constant 0 : i32
    %dma_wait3A_592 = tpu.memref_slice %arg6[%dma_wait3A_588, %dma_wait3A_590, %dma_wait3A_591] : memref<12x64x128xf32, #tpu.memory_space<vmem>> -> memref<1x64x128xf32, #tpu.memory_space<vmem>>
    %dma_wait3A_593 = tpu.memref_squeeze %dma_wait3A_592 : memref<1x64x128xf32, #tpu.memory_space<vmem>> -> memref<64x128xf32, #tpu.memory_space<vmem>>
    %dma_wait3A_594 = arith.constant 0 : i32
    %dma_wait3A_595 = arith.constant 0 : i32
    %dma_wait3A_596 = tpu.memref_slice %arg4[%dma_wait3A_594, %dma_wait3A_595] : memref<100000x128xf32, #tpu.memory_space<hbm>> -> memref<64x128xf32, #tpu.memory_space<hbm>>
    %dma_wait3A_597 = tpu.memref_slice %arg9[%dma_wait3A_589] : memref<12x!tpu.dma_semaphore, #tpu.memory_space<semaphore_mem>> -> memref<1x!tpu.dma_semaphore, #tpu.memory_space<semaphore_mem>>
    %dma_wait3A_598 = tpu.memref_squeeze %dma_wait3A_597 : memref<1x!tpu.dma_semaphore, #tpu.memory_space<semaphore_mem>> -> memref<!tpu.dma_semaphore, #tpu.memory_space<semaphore_mem>>
    %dma_wait3A_599 = arith.constant 0 : i32
    %dma_wait3A_600 = arith.constant 0 : i32
    %dma_wait3A_601 = tpu.memref_slice %arg4[%dma_wait3A_599, %dma_wait3A_600] : memref<100000x128xf32, #tpu.memory_space<hbm>> -> memref<64x128xf32, #tpu.memory_space<hbm>>
    %dma_wait3A_602 = arith.constant 0 : i32
    %dma_wait3A_603 = arith.constant 0 : i32
    %dma_wait3A_604 = tpu.memref_slice %arg6[%dma_wait3A_588, %dma_wait3A_602, %dma_wait3A_603] : memref<12x64x128xf32, #tpu.memory_space<vmem>> -> memref<1x64x128xf32, #tpu.memory_space<vmem>>
    %dma_wait3A_605 = tpu.memref_squeeze %dma_wait3A_604 : memref<1x64x128xf32, #tpu.memory_space<vmem>> -> memref<64x128xf32, #tpu.memory_space<vmem>>
    tpu.wait_dma2 semaphore(%dma_wait3A_598 : memref<!tpu.dma_semaphore, #tpu.memory_space<semaphore_mem>>) src(%dma_wait3A_605 : memref<64x128xf32, #tpu.memory_space<vmem>>) dst(%dma_wait3A_601 : memref<64x128xf32, #tpu.memory_space<hbm>>)
    %dma_wait3A_606 = arith.constant 3 : i32
    %dma_wait3A_607 = arith.constant 3 : i32
    %dma_wait3A_608 = arith.constant 0 : i32
    %dma_wait3A_609 = arith.constant 0 : i32
    %dma_wait3A_610 = tpu.memref_slice %arg6[%dma_wait3A_606, %dma_wait3A_608, %dma_wait3A_609] : memref<12x64x128xf32, #tpu.memory_space<vmem>> -> memref<1x64x128xf32, #tpu.memory_space<vmem>>
    %dma_wait3A_611 = tpu.memref_squeeze %dma_wait3A_610 : memref<1x64x128xf32, #tpu.memory_space<vmem>> -> memref<64x128xf32, #tpu.memory_space<vmem>>
    %dma_wait3A_612 = arith.constant 0 : i32
    %dma_wait3A_613 = arith.constant 0 : i32
    %dma_wait3A_614 = tpu.memref_slice %arg4[%dma_wait3A_612, %dma_wait3A_613] : memref<100000x128xf32, #tpu.memory_space<hbm>> -> memref<64x128xf32, #tpu.memory_space<hbm>>
    %dma_wait3A_615 = tpu.memref_slice %arg9[%dma_wait3A_607] : memref<12x!tpu.dma_semaphore, #tpu.memory_space<semaphore_mem>> -> memref<1x!tpu.dma_semaphore, #tpu.memory_space<semaphore_mem>>
    %dma_wait3A_616 = tpu.memref_squeeze %dma_wait3A_615 : memref<1x!tpu.dma_semaphore, #tpu.memory_space<semaphore_mem>> -> memref<!tpu.dma_semaphore, #tpu.memory_space<semaphore_mem>>
    %dma_wait3A_617 = arith.constant 0 : i32
    %dma_wait3A_618 = arith.constant 0 : i32
    %dma_wait3A_619 = tpu.memref_slice %arg4[%dma_wait3A_617, %dma_wait3A_618] : memref<100000x128xf32, #tpu.memory_space<hbm>> -> memref<64x128xf32, #tpu.memory_space<hbm>>
    %dma_wait3A_620 = arith.constant 0 : i32
    %dma_wait3A_621 = arith.constant 0 : i32
    %dma_wait3A_622 = tpu.memref_slice %arg6[%dma_wait3A_606, %dma_wait3A_620, %dma_wait3A_621] : memref<12x64x128xf32, #tpu.memory_space<vmem>> -> memref<1x64x128xf32, #tpu.memory_space<vmem>>
    %dma_wait3A_623 = tpu.memref_squeeze %dma_wait3A_622 : memref<1x64x128xf32, #tpu.memory_space<vmem>> -> memref<64x128xf32, #tpu.memory_space<vmem>>
    tpu.wait_dma2 semaphore(%dma_wait3A_616 : memref<!tpu.dma_semaphore, #tpu.memory_space<semaphore_mem>>) src(%dma_wait3A_623 : memref<64x128xf32, #tpu.memory_space<vmem>>) dst(%dma_wait3A_619 : memref<64x128xf32, #tpu.memory_space<hbm>>)
    %dma_wait3A_624 = arith.constant 4 : i32
    %dma_wait3A_625 = arith.constant 4 : i32
    %dma_wait3A_626 = arith.constant 0 : i32
    %dma_wait3A_627 = arith.constant 0 : i32
    %dma_wait3A_628 = tpu.memref_slice %arg6[%dma_wait3A_624, %dma_wait3A_626, %dma_wait3A_627] : memref<12x64x128xf32, #tpu.memory_space<vmem>> -> memref<1x64x128xf32, #tpu.memory_space<vmem>>
    %dma_wait3A_629 = tpu.memref_squeeze %dma_wait3A_628 : memref<1x64x128xf32, #tpu.memory_space<vmem>> -> memref<64x128xf32, #tpu.memory_space<vmem>>
    %dma_wait3A_630 = arith.constant 0 : i32
    %dma_wait3A_631 = arith.constant 0 : i32
    %dma_wait3A_632 = tpu.memref_slice %arg4[%dma_wait3A_630, %dma_wait3A_631] : memref<100000x128xf32, #tpu.memory_space<hbm>> -> memref<64x128xf32, #tpu.memory_space<hbm>>
    %dma_wait3A_633 = tpu.memref_slice %arg9[%dma_wait3A_625] : memref<12x!tpu.dma_semaphore, #tpu.memory_space<semaphore_mem>> -> memref<1x!tpu.dma_semaphore, #tpu.memory_space<semaphore_mem>>
    %dma_wait3A_634 = tpu.memref_squeeze %dma_wait3A_633 : memref<1x!tpu.dma_semaphore, #tpu.memory_space<semaphore_mem>> -> memref<!tpu.dma_semaphore, #tpu.memory_space<semaphore_mem>>
    %dma_wait3A_635 = arith.constant 0 : i32
    %dma_wait3A_636 = arith.constant 0 : i32
    %dma_wait3A_637 = tpu.memref_slice %arg4[%dma_wait3A_635, %dma_wait3A_636] : memref<100000x128xf32, #tpu.memory_space<hbm>> -> memref<64x128xf32, #tpu.memory_space<hbm>>
    %dma_wait3A_638 = arith.constant 0 : i32
    %dma_wait3A_639 = arith.constant 0 : i32
    %dma_wait3A_640 = tpu.memref_slice %arg6[%dma_wait3A_624, %dma_wait3A_638, %dma_wait3A_639] : memref<12x64x128xf32, #tpu.memory_space<vmem>> -> memref<1x64x128xf32, #tpu.memory_space<vmem>>
    %dma_wait3A_641 = tpu.memref_squeeze %dma_wait3A_640 : memref<1x64x128xf32, #tpu.memory_space<vmem>> -> memref<64x128xf32, #tpu.memory_space<vmem>>
    tpu.wait_dma2 semaphore(%dma_wait3A_634 : memref<!tpu.dma_semaphore, #tpu.memory_space<semaphore_mem>>) src(%dma_wait3A_641 : memref<64x128xf32, #tpu.memory_space<vmem>>) dst(%dma_wait3A_637 : memref<64x128xf32, #tpu.memory_space<hbm>>)
    %dma_wait3A_642 = arith.constant 5 : i32
    %dma_wait3A_643 = arith.constant 5 : i32
    %dma_wait3A_644 = arith.constant 0 : i32
    %dma_wait3A_645 = arith.constant 0 : i32
    %dma_wait3A_646 = tpu.memref_slice %arg6[%dma_wait3A_642, %dma_wait3A_644, %dma_wait3A_645] : memref<12x64x128xf32, #tpu.memory_space<vmem>> -> memref<1x64x128xf32, #tpu.memory_space<vmem>>
    %dma_wait3A_647 = tpu.memref_squeeze %dma_wait3A_646 : memref<1x64x128xf32, #tpu.memory_space<vmem>> -> memref<64x128xf32, #tpu.memory_space<vmem>>
    %dma_wait3A_648 = arith.constant 0 : i32
    %dma_wait3A_649 = arith.constant 0 : i32
    %dma_wait3A_650 = tpu.memref_slice %arg4[%dma_wait3A_648, %dma_wait3A_649] : memref<100000x128xf32, #tpu.memory_space<hbm>> -> memref<64x128xf32, #tpu.memory_space<hbm>>
    %dma_wait3A_651 = tpu.memref_slice %arg9[%dma_wait3A_643] : memref<12x!tpu.dma_semaphore, #tpu.memory_space<semaphore_mem>> -> memref<1x!tpu.dma_semaphore, #tpu.memory_space<semaphore_mem>>
    %dma_wait3A_652 = tpu.memref_squeeze %dma_wait3A_651 : memref<1x!tpu.dma_semaphore, #tpu.memory_space<semaphore_mem>> -> memref<!tpu.dma_semaphore, #tpu.memory_space<semaphore_mem>>
    %dma_wait3A_653 = arith.constant 0 : i32
    %dma_wait3A_654 = arith.constant 0 : i32
    %dma_wait3A_655 = tpu.memref_slice %arg4[%dma_wait3A_653, %dma_wait3A_654] : memref<100000x128xf32, #tpu.memory_space<hbm>> -> memref<64x128xf32, #tpu.memory_space<hbm>>
    %dma_wait3A_656 = arith.constant 0 : i32
    %dma_wait3A_657 = arith.constant 0 : i32
    %dma_wait3A_658 = tpu.memref_slice %arg6[%dma_wait3A_642, %dma_wait3A_656, %dma_wait3A_657] : memref<12x64x128xf32, #tpu.memory_space<vmem>> -> memref<1x64x128xf32, #tpu.memory_space<vmem>>
    %dma_wait3A_659 = tpu.memref_squeeze %dma_wait3A_658 : memref<1x64x128xf32, #tpu.memory_space<vmem>> -> memref<64x128xf32, #tpu.memory_space<vmem>>
    tpu.wait_dma2 semaphore(%dma_wait3A_652 : memref<!tpu.dma_semaphore, #tpu.memory_space<semaphore_mem>>) src(%dma_wait3A_659 : memref<64x128xf32, #tpu.memory_space<vmem>>) dst(%dma_wait3A_655 : memref<64x128xf32, #tpu.memory_space<hbm>>)
    %dma_wait3A_660 = arith.constant 6 : i32
    %dma_wait3A_661 = arith.constant 6 : i32
    %dma_wait3A_662 = arith.constant 0 : i32
    %dma_wait3A_663 = arith.constant 0 : i32
    %dma_wait3A_664 = tpu.memref_slice %arg6[%dma_wait3A_660, %dma_wait3A_662, %dma_wait3A_663] : memref<12x64x128xf32, #tpu.memory_space<vmem>> -> memref<1x64x128xf32, #tpu.memory_space<vmem>>
    %dma_wait3A_665 = tpu.memref_squeeze %dma_wait3A_664 : memref<1x64x128xf32, #tpu.memory_space<vmem>> -> memref<64x128xf32, #tpu.memory_space<vmem>>
    %dma_wait3A_666 = arith.constant 0 : i32
    %dma_wait3A_667 = arith.constant 0 : i32
    %dma_wait3A_668 = tpu.memref_slice %arg4[%dma_wait3A_666, %dma_wait3A_667] : memref<100000x128xf32, #tpu.memory_space<hbm>> -> memref<64x128xf32, #tpu.memory_space<hbm>>
    %dma_wait3A_669 = tpu.memref_slice %arg9[%dma_wait3A_661] : memref<12x!tpu.dma_semaphore, #tpu.memory_space<semaphore_mem>> -> memref<1x!tpu.dma_semaphore, #tpu.memory_space<semaphore_mem>>
    %dma_wait3A_670 = tpu.memref_squeeze %dma_wait3A_669 : memref<1x!tpu.dma_semaphore, #tpu.memory_space<semaphore_mem>> -> memref<!tpu.dma_semaphore, #tpu.memory_space<semaphore_mem>>
    %dma_wait3A_671 = arith.constant 0 : i32
    %dma_wait3A_672 = arith.constant 0 : i32
    %dma_wait3A_673 = tpu.memref_slice %arg4[%dma_wait3A_671, %dma_wait3A_672] : memref<100000x128xf32, #tpu.memory_space<hbm>> -> memref<64x128xf32, #tpu.memory_space<hbm>>
    %dma_wait3A_674 = arith.constant 0 : i32
    %dma_wait3A_675 = arith.constant 0 : i32
    %dma_wait3A_676 = tpu.memref_slice %arg6[%dma_wait3A_660, %dma_wait3A_674, %dma_wait3A_675] : memref<12x64x128xf32, #tpu.memory_space<vmem>> -> memref<1x64x128xf32, #tpu.memory_space<vmem>>
    %dma_wait3A_677 = tpu.memref_squeeze %dma_wait3A_676 : memref<1x64x128xf32, #tpu.memory_space<vmem>> -> memref<64x128xf32, #tpu.memory_space<vmem>>
    tpu.wait_dma2 semaphore(%dma_wait3A_670 : memref<!tpu.dma_semaphore, #tpu.memory_space<semaphore_mem>>) src(%dma_wait3A_677 : memref<64x128xf32, #tpu.memory_space<vmem>>) dst(%dma_wait3A_673 : memref<64x128xf32, #tpu.memory_space<hbm>>)
    %dma_wait3A_678 = arith.constant 7 : i32
    %dma_wait3A_679 = arith.constant 7 : i32
    %dma_wait3A_680 = arith.constant 0 : i32
    %dma_wait3A_681 = arith.constant 0 : i32
    %dma_wait3A_682 = tpu.memref_slice %arg6[%dma_wait3A_678, %dma_wait3A_680, %dma_wait3A_681] : memref<12x64x128xf32, #tpu.memory_space<vmem>> -> memref<1x64x128xf32, #tpu.memory_space<vmem>>
    %dma_wait3A_683 = tpu.memref_squeeze %dma_wait3A_682 : memref<1x64x128xf32, #tpu.memory_space<vmem>> -> memref<64x128xf32, #tpu.memory_space<vmem>>
    %dma_wait3A_684 = arith.constant 0 : i32
    %dma_wait3A_685 = arith.constant 0 : i32
    %dma_wait3A_686 = tpu.memref_slice %arg4[%dma_wait3A_684, %dma_wait3A_685] : memref<100000x128xf32, #tpu.memory_space<hbm>> -> memref<64x128xf32, #tpu.memory_space<hbm>>
    %dma_wait3A_687 = tpu.memref_slice %arg9[%dma_wait3A_679] : memref<12x!tpu.dma_semaphore, #tpu.memory_space<semaphore_mem>> -> memref<1x!tpu.dma_semaphore, #tpu.memory_space<semaphore_mem>>
    %dma_wait3A_688 = tpu.memref_squeeze %dma_wait3A_687 : memref<1x!tpu.dma_semaphore, #tpu.memory_space<semaphore_mem>> -> memref<!tpu.dma_semaphore, #tpu.memory_space<semaphore_mem>>
    %dma_wait3A_689 = arith.constant 0 : i32
    %dma_wait3A_690 = arith.constant 0 : i32
    %dma_wait3A_691 = tpu.memref_slice %arg4[%dma_wait3A_689, %dma_wait3A_690] : memref<100000x128xf32, #tpu.memory_space<hbm>> -> memref<64x128xf32, #tpu.memory_space<hbm>>
    %dma_wait3A_692 = arith.constant 0 : i32
    %dma_wait3A_693 = arith.constant 0 : i32
    %dma_wait3A_694 = tpu.memref_slice %arg6[%dma_wait3A_678, %dma_wait3A_692, %dma_wait3A_693] : memref<12x64x128xf32, #tpu.memory_space<vmem>> -> memref<1x64x128xf32, #tpu.memory_space<vmem>>
    %dma_wait3A_695 = tpu.memref_squeeze %dma_wait3A_694 : memref<1x64x128xf32, #tpu.memory_space<vmem>> -> memref<64x128xf32, #tpu.memory_space<vmem>>
    tpu.wait_dma2 semaphore(%dma_wait3A_688 : memref<!tpu.dma_semaphore, #tpu.memory_space<semaphore_mem>>) src(%dma_wait3A_695 : memref<64x128xf32, #tpu.memory_space<vmem>>) dst(%dma_wait3A_691 : memref<64x128xf32, #tpu.memory_space<hbm>>)
    %dma_wait3A_696 = arith.constant 8 : i32
    %dma_wait3A_697 = arith.constant 8 : i32
    %dma_wait3A_698 = arith.constant 0 : i32
    %dma_wait3A_699 = arith.constant 0 : i32
    %dma_wait3A_700 = tpu.memref_slice %arg6[%dma_wait3A_696, %dma_wait3A_698, %dma_wait3A_699] : memref<12x64x128xf32, #tpu.memory_space<vmem>> -> memref<1x64x128xf32, #tpu.memory_space<vmem>>
    %dma_wait3A_701 = tpu.memref_squeeze %dma_wait3A_700 : memref<1x64x128xf32, #tpu.memory_space<vmem>> -> memref<64x128xf32, #tpu.memory_space<vmem>>
    %dma_wait3A_702 = arith.constant 0 : i32
    %dma_wait3A_703 = arith.constant 0 : i32
    %dma_wait3A_704 = tpu.memref_slice %arg4[%dma_wait3A_702, %dma_wait3A_703] : memref<100000x128xf32, #tpu.memory_space<hbm>> -> memref<64x128xf32, #tpu.memory_space<hbm>>
    %dma_wait3A_705 = tpu.memref_slice %arg9[%dma_wait3A_697] : memref<12x!tpu.dma_semaphore, #tpu.memory_space<semaphore_mem>> -> memref<1x!tpu.dma_semaphore, #tpu.memory_space<semaphore_mem>>
    %dma_wait3A_706 = tpu.memref_squeeze %dma_wait3A_705 : memref<1x!tpu.dma_semaphore, #tpu.memory_space<semaphore_mem>> -> memref<!tpu.dma_semaphore, #tpu.memory_space<semaphore_mem>>
    %dma_wait3A_707 = arith.constant 0 : i32
    %dma_wait3A_708 = arith.constant 0 : i32
    %dma_wait3A_709 = tpu.memref_slice %arg4[%dma_wait3A_707, %dma_wait3A_708] : memref<100000x128xf32, #tpu.memory_space<hbm>> -> memref<64x128xf32, #tpu.memory_space<hbm>>
    %dma_wait3A_710 = arith.constant 0 : i32
    %dma_wait3A_711 = arith.constant 0 : i32
    %dma_wait3A_712 = tpu.memref_slice %arg6[%dma_wait3A_696, %dma_wait3A_710, %dma_wait3A_711] : memref<12x64x128xf32, #tpu.memory_space<vmem>> -> memref<1x64x128xf32, #tpu.memory_space<vmem>>
    %dma_wait3A_713 = tpu.memref_squeeze %dma_wait3A_712 : memref<1x64x128xf32, #tpu.memory_space<vmem>> -> memref<64x128xf32, #tpu.memory_space<vmem>>
    tpu.wait_dma2 semaphore(%dma_wait3A_706 : memref<!tpu.dma_semaphore, #tpu.memory_space<semaphore_mem>>) src(%dma_wait3A_713 : memref<64x128xf32, #tpu.memory_space<vmem>>) dst(%dma_wait3A_709 : memref<64x128xf32, #tpu.memory_space<hbm>>)
    %dma_wait3A_714 = arith.constant 9 : i32
    %dma_wait3A_715 = arith.constant 9 : i32
    %dma_wait3A_716 = arith.constant 0 : i32
    %dma_wait3A_717 = arith.constant 0 : i32
    %dma_wait3A_718 = tpu.memref_slice %arg6[%dma_wait3A_714, %dma_wait3A_716, %dma_wait3A_717] : memref<12x64x128xf32, #tpu.memory_space<vmem>> -> memref<1x64x128xf32, #tpu.memory_space<vmem>>
    %dma_wait3A_719 = tpu.memref_squeeze %dma_wait3A_718 : memref<1x64x128xf32, #tpu.memory_space<vmem>> -> memref<64x128xf32, #tpu.memory_space<vmem>>
    %dma_wait3A_720 = arith.constant 0 : i32
    %dma_wait3A_721 = arith.constant 0 : i32
    %dma_wait3A_722 = tpu.memref_slice %arg4[%dma_wait3A_720, %dma_wait3A_721] : memref<100000x128xf32, #tpu.memory_space<hbm>> -> memref<64x128xf32, #tpu.memory_space<hbm>>
    %dma_wait3A_723 = tpu.memref_slice %arg9[%dma_wait3A_715] : memref<12x!tpu.dma_semaphore, #tpu.memory_space<semaphore_mem>> -> memref<1x!tpu.dma_semaphore, #tpu.memory_space<semaphore_mem>>
    %dma_wait3A_724 = tpu.memref_squeeze %dma_wait3A_723 : memref<1x!tpu.dma_semaphore, #tpu.memory_space<semaphore_mem>> -> memref<!tpu.dma_semaphore, #tpu.memory_space<semaphore_mem>>
    %dma_wait3A_725 = arith.constant 0 : i32
    %dma_wait3A_726 = arith.constant 0 : i32
    %dma_wait3A_727 = tpu.memref_slice %arg4[%dma_wait3A_725, %dma_wait3A_726] : memref<100000x128xf32, #tpu.memory_space<hbm>> -> memref<64x128xf32, #tpu.memory_space<hbm>>
    %dma_wait3A_728 = arith.constant 0 : i32
    %dma_wait3A_729 = arith.constant 0 : i32
    %dma_wait3A_730 = tpu.memref_slice %arg6[%dma_wait3A_714, %dma_wait3A_728, %dma_wait3A_729] : memref<12x64x128xf32, #tpu.memory_space<vmem>> -> memref<1x64x128xf32, #tpu.memory_space<vmem>>
    %dma_wait3A_731 = tpu.memref_squeeze %dma_wait3A_730 : memref<1x64x128xf32, #tpu.memory_space<vmem>> -> memref<64x128xf32, #tpu.memory_space<vmem>>
    tpu.wait_dma2 semaphore(%dma_wait3A_724 : memref<!tpu.dma_semaphore, #tpu.memory_space<semaphore_mem>>) src(%dma_wait3A_731 : memref<64x128xf32, #tpu.memory_space<vmem>>) dst(%dma_wait3A_727 : memref<64x128xf32, #tpu.memory_space<hbm>>)
    %dma_wait3A_732 = arith.constant 10 : i32
    %dma_wait3A_733 = arith.constant 10 : i32
    %dma_wait3A_734 = arith.constant 0 : i32
    %dma_wait3A_735 = arith.constant 0 : i32
    %dma_wait3A_736 = tpu.memref_slice %arg6[%dma_wait3A_732, %dma_wait3A_734, %dma_wait3A_735] : memref<12x64x128xf32, #tpu.memory_space<vmem>> -> memref<1x64x128xf32, #tpu.memory_space<vmem>>
    %dma_wait3A_737 = tpu.memref_squeeze %dma_wait3A_736 : memref<1x64x128xf32, #tpu.memory_space<vmem>> -> memref<64x128xf32, #tpu.memory_space<vmem>>
    %dma_wait3A_738 = arith.constant 0 : i32
    %dma_wait3A_739 = arith.constant 0 : i32
    %dma_wait3A_740 = tpu.memref_slice %arg4[%dma_wait3A_738, %dma_wait3A_739] : memref<100000x128xf32, #tpu.memory_space<hbm>> -> memref<64x128xf32, #tpu.memory_space<hbm>>
    %dma_wait3A_741 = tpu.memref_slice %arg9[%dma_wait3A_733] : memref<12x!tpu.dma_semaphore, #tpu.memory_space<semaphore_mem>> -> memref<1x!tpu.dma_semaphore, #tpu.memory_space<semaphore_mem>>
    %dma_wait3A_742 = tpu.memref_squeeze %dma_wait3A_741 : memref<1x!tpu.dma_semaphore, #tpu.memory_space<semaphore_mem>> -> memref<!tpu.dma_semaphore, #tpu.memory_space<semaphore_mem>>
    %dma_wait3A_743 = arith.constant 0 : i32
    %dma_wait3A_744 = arith.constant 0 : i32
    %dma_wait3A_745 = tpu.memref_slice %arg4[%dma_wait3A_743, %dma_wait3A_744] : memref<100000x128xf32, #tpu.memory_space<hbm>> -> memref<64x128xf32, #tpu.memory_space<hbm>>
    %dma_wait3A_746 = arith.constant 0 : i32
    %dma_wait3A_747 = arith.constant 0 : i32
    %dma_wait3A_748 = tpu.memref_slice %arg6[%dma_wait3A_732, %dma_wait3A_746, %dma_wait3A_747] : memref<12x64x128xf32, #tpu.memory_space<vmem>> -> memref<1x64x128xf32, #tpu.memory_space<vmem>>
    %dma_wait3A_749 = tpu.memref_squeeze %dma_wait3A_748 : memref<1x64x128xf32, #tpu.memory_space<vmem>> -> memref<64x128xf32, #tpu.memory_space<vmem>>
    tpu.wait_dma2 semaphore(%dma_wait3A_742 : memref<!tpu.dma_semaphore, #tpu.memory_space<semaphore_mem>>) src(%dma_wait3A_749 : memref<64x128xf32, #tpu.memory_space<vmem>>) dst(%dma_wait3A_745 : memref<64x128xf32, #tpu.memory_space<hbm>>)
    %dma_wait3A_750 = arith.constant 11 : i32
    %dma_wait3A_751 = arith.constant 11 : i32
    %dma_wait3A_752 = arith.constant 0 : i32
    %dma_wait3A_753 = arith.constant 0 : i32
    %dma_wait3A_754 = tpu.memref_slice %arg6[%dma_wait3A_750, %dma_wait3A_752, %dma_wait3A_753] : memref<12x64x128xf32, #tpu.memory_space<vmem>> -> memref<1x64x128xf32, #tpu.memory_space<vmem>>
    %dma_wait3A_755 = tpu.memref_squeeze %dma_wait3A_754 : memref<1x64x128xf32, #tpu.memory_space<vmem>> -> memref<64x128xf32, #tpu.memory_space<vmem>>
    %dma_wait3A_756 = arith.constant 0 : i32
    %dma_wait3A_757 = arith.constant 0 : i32
    %dma_wait3A_758 = tpu.memref_slice %arg4[%dma_wait3A_756, %dma_wait3A_757] : memref<100000x128xf32, #tpu.memory_space<hbm>> -> memref<64x128xf32, #tpu.memory_space<hbm>>
    %dma_wait3A_759 = tpu.memref_slice %arg9[%dma_wait3A_751] : memref<12x!tpu.dma_semaphore, #tpu.memory_space<semaphore_mem>> -> memref<1x!tpu.dma_semaphore, #tpu.memory_space<semaphore_mem>>
    %dma_wait3A_760 = tpu.memref_squeeze %dma_wait3A_759 : memref<1x!tpu.dma_semaphore, #tpu.memory_space<semaphore_mem>> -> memref<!tpu.dma_semaphore, #tpu.memory_space<semaphore_mem>>
    %dma_wait3A_761 = arith.constant 0 : i32
    %dma_wait3A_762 = arith.constant 0 : i32
    %dma_wait3A_763 = tpu.memref_slice %arg4[%dma_wait3A_761, %dma_wait3A_762] : memref<100000x128xf32, #tpu.memory_space<hbm>> -> memref<64x128xf32, #tpu.memory_space<hbm>>
    %dma_wait3A_764 = arith.constant 0 : i32
    %dma_wait3A_765 = arith.constant 0 : i32
    %dma_wait3A_766 = tpu.memref_slice %arg6[%dma_wait3A_750, %dma_wait3A_764, %dma_wait3A_765] : memref<12x64x128xf32, #tpu.memory_space<vmem>> -> memref<1x64x128xf32, #tpu.memory_space<vmem>>
    %dma_wait3A_767 = tpu.memref_squeeze %dma_wait3A_766 : memref<1x64x128xf32, #tpu.memory_space<vmem>> -> memref<64x128xf32, #tpu.memory_space<vmem>>
    tpu.wait_dma2 semaphore(%dma_wait3A_760 : memref<!tpu.dma_semaphore, #tpu.memory_space<semaphore_mem>>) src(%dma_wait3A_767 : memref<64x128xf32, #tpu.memory_space<vmem>>) dst(%dma_wait3A_763 : memref<64x128xf32, #tpu.memory_space<hbm>>)
    return
  }
}

</mosaic_0001>

<sc_bundles>
// kernel: kernel.3.cloned.1.call-start
scs
__scs_entry_jumppad:
0x0: {  	(pc) =	sbr.rel $0x88, $3  }
0x1: {  	(tag) =	ssettag $0x0;
	lr =	simm.s32 $0x1  }
0x2: {  	[smem:$0x3F9F] =	sst lr;
	_ =	strace $0xD0000000  }
0x3: {  	_ = 	snop  }
0x4: {  	_ = 	snop  }
0x5: {  	_ = 	snop  }
0x6: {  	_ = 	snop  }
0x7: {  	_ = 	snop  }
__scs_overlays_trampoline_lowered:
0x8: {  	[smem:$0x3FAE] =	sst s0  }
0x9: {  	[smem:$0x3FAF] =	sst s1  }
0xa: {  	[smem:$0x3FB0] =	sst s2  }
0xb: {  	[smem:$0x3FB1] =	sst s3  }
0xc: {  	[smem:$0x3FB2] =	sst s4  }
0xd: {  	[smem:$0x3FB3] =	sst s5  }
0xe: {  	[smem:$0x3FB4] =	sst s6  }
0xf: {  	[smem:$0x3FB5] =	sst s7  }
0x10: {  	[smem:$0x3FB6] =	sst s8  }
0x11: {  	[smem:$0x3FB7] =	sst s9;
	s0 =	simm.s32 @!p0 $0x0  }
0x12: {  	s1 =	sld [smem:$0x3F9D];
	s0 =	simm.s32 @p0 $0x1  }
0x13: {  	[smem:$0x3FB8] =	sst s0;
	s0 =	simm.s32 @!p1 $0x0  }
0x14: {  	s2 =	sld [smem:$0x3F9C];
	s0 =	simm.s32 @p1 $0x1  }
0x15: {  	[smem:$0x3FB9] =	sst s0;
	s0 =	simm.s32 @!p2 $0x0  }
0x16: {  	s3 =	sld [smem:$0x3FDB];
	s0 =	simm.s32 @p2 $0x1  }
0x17: {  	s4 =	simm.s32 $0x1BF5;
	[smem:$0x3FBB] =	sst s0  }
0x18: {  	s0 =	sld [smem:$0x3F9E];
	_ =	swait.ge [sflag:s4], $0x0  }
0x19: {  	s7 =	sld [smem:$0x3F9F]  }
0x1a: {  	s8 =	sadd.s32 $0xFFFFE003, lr  }
0x1b: {  	s9 =	sadd.s32 $0xFFFFFEF7, lr;
	s5 =	simm.s32 $0xFFFFFFFF;
	p2 =	slt.u32 s8, $0xFFFFF086  }
0x1c: {  	p1 =	slt.u32 s9, $0xF7A;
	s5 =	simm.s32 @!p2 $0x0  }
0x1d: {  	s5 =	simm.s32 @p1 $0x1;
	p0 =	seq.s32 s7, s2  }
0x1e: {  	s7 =	smul.u32 @!p0 $0xF7A, s2;
	p2 =	seq.s32 @!p0 s5, $0x0  }
0x1f: {  	s9 =	smul.u32 $0xF7A, s1;
	s8 =	simm.s32 @!p0 $0x1BF5;
	p2 =	por !p2, p0  }
0x20: {  	[sflag:s8] =	ssyncset.s32 @!p0 $0xFFFFF086;
	s6 =	sadd.s32 @!p0 s3, s7;
	s7 =	simm.s32 @!p0 $0x108  }
0x21: {  	s3 =	sadd.s32 s3, s9;
	s6 =	sadd.s32 @!p0 $0x88, s6;
	s7 =	simm.s32 @p2 $0x1082  }
0x22: {  	[simem:s7], [sflag:s8] =	dma.local @!p0 [hbm:s6], $0xF7A  }
0x23: {  	s9 =	sor.u32 $0xD0000000, s2;
	s6 =	simm.s32 $0x108;
	_ =	swait.ge @!p0 [sflag:s8], $0x0  }
0x24: {  	s3 =	sadd.s32 $0x88, s3;
	s6 =	simm.s32 @!p1 $0x1082;
	[sflag:s4] =	ssyncset.s32 $0xFFFFF086  }
0x25: {  	[simem:s6], [sflag:s4] =	dma.local [hbm:s3], $0xF7A  }
0x26: {  	[smem:$0x3F9F] =	sst s1;
	(tag) =	ssettag s2;
	_ =	strace s9  }
0x27: {  	s1 =	sld [smem:$0x3FAF]  }
0x28: {  	s2 =	sld [smem:$0x3FB0]  }
0x29: {  	s4 =	sld [smem:$0x3FB2]  }
0x2a: {  	p0 =	seq.s32 s5, $0x0;
	s5 =	sld [smem:$0x3FB3]  }
0x2b: {  	s6 =	sld [smem:$0x3FB4]  }
0x2c: {  	s7 =	sld [smem:$0x3FB5]  }
0x2d: {  	s3 =	simm.s32 $0x108;
	s8 =	sld [smem:$0x3FB6]  }
0x2e: {  	s3 =	simm.s32 @!p0 $0x1082;
	s9 =	sld [smem:$0x3FB7]  }
0x2f: {  	lr =	sadd.s32 s0, s3;
	s0 =	sld [smem:$0x3FAE]  }
0x30: {  	s3 =	sld [smem:$0x3FB1]  }
0x31: {  	[smem:$0x3FBA] =	sst s10  }
0x32: {  	s10 =	sld [smem:$0x3FB8];
	_ =	sdelay $0x3  }
0x33: {  	p0 =	seq.s32 s10, $0x1;
	s10 =	sld [smem:$0x3FBA];
	_ =	sdelay $0x3  }
0x34: {  	[smem:$0x3FBA] =	sst s10  }
0x35: {  	s10 =	sld [smem:$0x3FB9];
	_ =	sdelay $0x3  }
0x36: {  	p1 =	seq.s32 s10, $0x1;
	s10 =	sld [smem:$0x3FBA];
	_ =	sdelay $0x3  }
0x37: {  	[smem:$0x3FBA] =	sst s10  }
0x38: {  	s10 =	sld [smem:$0x3FBB]  }
0x39: {  	_ = 	snop;
	(pc) =	sbr.ind lr, $3  }
0x3a: {  	_ = 	snop  }
0x3b: {  	_ = 	snop  }
0x3c: {  	p2 =	seq.s32 s10, $0x1;
	s10 =	sld [smem:$0x3FBA]  }
0x3d: {  	_ =	shalt  }
0x3e: {  	_ =	shalt  }
0x3f: {  	_ =	shalt  }
0x40: {  	_ =	shalt  }
0x41: {  	_ =	shalt  }
0x42: {  	_ =	shalt  }
0x43: {  	_ =	shalt  }
0x44: {  	_ =	shalt  }
0x45: {  	_ =	shalt  }
0x46: {  	_ =	shalt  }
0x47: {  	_ =	shalt  }
0x48: {  	_ =	shalt  }
0x49: {  	_ =	shalt  }
0x4a: {  	_ =	shalt  }
0x4b: {  	_ =	shalt  }
0x4c: {  	_ =	shalt  }
0x4d: {  	_ =	shalt  }
0x4e: {  	_ =	shalt  }
0x4f: {  	_ =	shalt  }
0x50: {  	_ =	shalt  }
0x51: {  	_ =	shalt  }
0x52: {  	_ =	shalt  }
0x53: {  	_ =	shalt  }
0x54: {  	_ =	shalt  }
0x55: {  	_ =	shalt  }
0x56: {  	_ =	shalt  }
0x57: {  	_ =	shalt  }
0x58: {  	_ =	shalt  }
0x59: {  	_ =	shalt  }
0x5a: {  	_ =	shalt  }
0x5b: {  	_ =	shalt  }
0x5c: {  	_ =	shalt  }
0x5d: {  	_ =	shalt  }
0x5e: {  	_ =	shalt  }
0x5f: {  	_ =	shalt  }
0x60: {  	_ =	shalt  }
0x61: {  	_ =	shalt  }
0x62: {  	_ =	shalt  }
0x63: {  	_ =	shalt  }
0x64: {  	_ =	shalt  }
0x65: {  	_ =	shalt  }
0x66: {  	_ =	shalt  }
0x67: {  	_ =	shalt  }
0x68: {  	_ =	shalt  }
0x69: {  	_ =	shalt  }
0x6a: {  	_ =	shalt  }
0x6b: {  	_ =	shalt  }
0x6c: {  	_ =	shalt  }
0x6d: {  	_ =	shalt  }
0x6e: {  	_ =	shalt  }
0x6f: {  	_ =	shalt  }
0x70: {  	_ =	shalt  }
0x71: {  	_ =	shalt  }
0x72: {  	_ =	shalt  }
0x73: {  	_ =	shalt  }
0x74: {  	_ =	shalt  }
0x75: {  	_ =	shalt  }
0x76: {  	_ =	shalt  }
0x77: {  	_ =	shalt  }
0x78: {  	_ =	shalt  }
0x79: {  	_ =	shalt  }
0x7a: {  	_ =	shalt  }
0x7b: {  	_ =	shalt  }
0x7c: {  	_ =	shalt  }
0x7d: {  	_ =	shalt  }
0x7e: {  	_ =	shalt  }
0x7f: {  	_ =	shalt  }
0x80: {  	_ =	shalt  }
0x81: {  	_ =	shalt  }
0x82: {  	_ =	shalt  }
0x83: {  	_ =	shalt  }
0x84: {  	_ =	shalt  }
0x85: {  	_ =	shalt  }
0x86: {  	_ =	shalt  }
0x87: {  	_ =	shalt  }
.Lfunc_end0:
.L_simem_size_0:
called_computation_lowered:
.L_overlay_start_0:
0x88: {  	s2 =	sld [smem:$0x3FD9]  }
0x89: {  	s3 =	sld [smem:$0x3FFE];
	_ =	sdelay $0x1  }
0x8a: {  	s1 =	srdreg.scid  }
0x8b: {  	s0 =	sand.u32 $0x1, s1  }
0x8c: {  	s18 =	sshll.u32 s0, $0xA;
	s2 =	sadd.s32 s3, s2  }
0x8d: {  	s2 =	sadd.s32 s2, s18  }
0x8e: {  	[smem:$0x3FC6] =	sst s2  }
0x8f: {  	_ = 	snop  }
0x90: {  	s2 =	sld [smem:$0x3FC9]  }
0x91: {  	s19 =	sld [smem:$0x3FC8]  }
0x92: {  	s4 =	sld [smem:$0x3FD0];
	(tm) =	ssettm $0x1  }
0x93: {  	s5 =	sld [smem:$0x3FFB];
	_ =	sdelay $0x3  }
0x94: {  	_ =	strace s5  }
0x95: {  	s5 =	sld [smem:$0x3FFC];
	_ =	sdelay $0x3  }
0x96: {  	_ =	strace s5  }
0x97: {  	s5 =	sld [smem:$0x3FFD];
	_ =	sdelay $0x3  }
0x98: {  	_ =	strace s5  }
0x99: {  	_ =	strace $0x8FFFFFFF  }
0x9a: {  	s20 =	sld [smem:$0x3FDB];
	_ =	sdelay $0x1  }
0x9b: {  	s6 =	simm.s32 $_scs_section_size  }
0x9c: {  	s7 =	simm.s32 $_size__tile_overlayer_lowered;
	s8 =	simm.s32 $_tile_overlayer_lowered  }
0x9d: {  	s23 =	simm.s32 $0x1BFF;
	s22 =	sshll.u32 s8, $0x1;
	s5 =	sadd.s32 s6, s20  }
0x9e: {  	s9 =	simm.s32 $0x0;
	s21 =	sshll.u32 s7, $0x1;
	s7 =	sadd.s32 s22, s5  }
0x9f: {  	[timem:s9], [sflag:s23] =	dma.local [hbm:s7], s21  }
0xa0: {  	_ =	swait.ge [sflag:s23], s21  }
0xa1: {  	s6 =	ssub.s32 $0x0, s21;
	[sflag:s23] =	ssyncset.done $0x0  }
0xa2: {  	[sflag:s23] =	ssyncadd.s32 s6;
	_ =	sdelay $0x1  }
0xa3: {  	s24 =	simm.s32 $0x1B8B  }
0xa4: {  	_ =	swait.ge [sflag:s24], $0x1  }
0xa5: {  	[sflag:s24] =	ssyncset.done $0x0  }
0xa6: {  	s25 =	simm.s32 $0x1B8E;
	[sflag:s24] =	ssyncadd.s32 $0xFFFFFFFF  }
0xa7: {  	s26 =	simm.s32 $execute0_lowered;
	[smem:$0x3FD2] =	sst s25  }
0xa8: {  	s6 =	sshll.u32 s26, $0x1;
	_ =	strace $0x80000046;
	[dreg:$0x1] =	wrdreg $0xFFFFFFFF  }
0xa9: {  	s28 =	simm.s32 $_size_execute0_lowered;
	s5 =	sadd.s32 s5, s6;
	[dreg:$0x0] =	wrdreg $0x0  }
0xaa: {  	s6 =	sshll.u32 s28, $0x1;
	[dreg:$0x2] =	wrdreg s5  }
0xab: {  	[dreg:$0x3] =	wrdreg s6  }
0xac: {  	[dreg:$0x4] =	wrdreg $0xC0  }
0xad: {  	_ =	task [dreg:s9], $0x5FFFF  }
0xae: {  	[dreg:$0x1] =	wrdreg $0xFFFFFFFF  }
0xaf: {  	[dreg:$0x0] =	wrdreg $0x60  }
0xb0: {  	[dreg:$0x2] =	wrdreg s2  }
0xb1: {  	[dreg:$0x3] =	wrdreg s19  }
0xb2: {  	[dreg:$0x4] =	wrdreg s4  }
0xb3: {  	[dreg:$0x5] =	wrdreg $0x18C800  }
0xb4: {  	[dreg:$0x6] =	wrdreg $0x9  }
0xb5: {  	_ =	task.clear_ibuf [dreg:s9], $0x7FFFF;
	_ =	strace $0x90000046  }
0xb6: {  	s29 =	simm.s32 $0x9;
	_ =	strace $0x80000048  }
0xb7: {  	_ =	swait.ge [sflag:s29], $0x1  }
0xb8: {  	[sflag:s29] =	ssyncadd.s32 $0xFFFFFFFF  }
0xb9: {  	_ =	strace $0x90000048  }
0xba: {  	_ =	sfence  }
0xbb: {  	s30 =	sld [smem:$0x0];
	_ =	sdelay $0x2  }
0xbc: {  	s31 =	sshll.u32 s1, $0xD;
	s1 =	sshrl.u32 s1, $0x2  }
0xbd: {  	s3 =	sand.u32 $0x4000, s31;
	s1 =	sadd.s32 s1, s30  }
0xbe: {  	s0 =	sor.u32 s3, s0;
	s1 =	sshll.u32 s1, $0x11  }
0xbf: {  	s0 =	sor.u32 s1, s0  }
0xc0: {  	s0 =	sadd.s32 $0x8F2B, s0  }
0xc1: {  	[sflag:s0] =	ssyncadd.remote.s32 $0x1  }
0xc2: {  	_ =	sfence.sel $0xFFFF  }
0xc3: {  	[dreg:$0x0] =	wrdreg $0xFFFFFFFF;
	(pc) =	sbr.abs _section_cstart, $3  }
0xc4: {  	[dreg:$0x1] =	wrdreg $0xFFFFFFFF  }
0xc5: {  	_ =	task.clear_ibuf [dreg:s9], $0x2FFFF;
	_ =	strace $0x9FFFFFFF  }
0xc6: {  	(tm) =	ssettm $0x7FFFFFFF  }
0xc7: {  	_ =	shalt  }
tec
execute0_lowered:
.L_overlay_start_1:
0x0: {  	(tag) =	ssettag $0x1  }
0x1: {  	s0 =	rddreg [dreg:$0x0]  }
0x2: {  	s1 =	srdreg.scid;
	s4 =	stileid.u32  }
0x3: {  	s5 =	rddreg [dreg:$0x2];
	s10 =	simm.s32 $0x200;
	s11 =	simm.s32 $0x40  }
0x4: {  	s26 =	simm.s32 $0xD;
	s30 =	simm.s32 $0x10;
	s31 =	simm.s32 $0x11  }
0x5: {  	s12 =	simm.s32 $0x14;
	s13 =	simm.s32 $0x15;
	s14 =	simm.s32 $0x16  }
0x6: {  	s15 =	simm.s32 $0x17;
	s16 =	simm.s32 $0x18;
	s17 =	simm.s32 $0x0  }
0x7: {  	s1 =	sand.u32 $0x1, s1;
	s2 =	sshll.u32 s4, $0x1;
	s7 =	smul.u32 $0x1900, s4  }
0x8: {  	s3 =	sor.u32 s1, s2;
	s2 =	rddreg [dreg:$0x3];
	s8 =	smul.u32 $0xC80, s1  }
0x9: {  	s1 =	ssub.s32 $0x2, s1;
	s6 =	smul.u32 $0xC80, s3;
	s3 =	simm.s32 $0x0  }
0xa: {  	p0 =	sne.s32 s4, $0x0;
	s9 =	sshrl.u32 s1, $0x1;
	[smem:$0x7FF] =	sst s3  }
0xb: {  	s7 =	sadd.s32 s8, s7;
	s1 =	ssub.s32 s1, s9;
	s6 =	smin.u32 s6, $0x17A20  }
0xc: {  	_ =	strace $0x80000047;
	s1 =	smax.u32 s1, $0x1;
	s6 =	sshrl.u32 s6, $0x3  }
0xd: {  	s29 =	smin.u32 s7, $0x17A20;
	[dreg:$0x7] =	wrdreg s1;
	s6 =	sadd.s32 s0, s6  }
0xe: {  	s0 =	sshll.u32 s29, $0x4;
	[dreg:$0x5] =	wrdreg s6;
	s6 =	sadd.s32 $0x40, s6  }
0xf: {  	s24 =	sadd.s32 s0, s5;
	s0 =	sshrl.u32 @!p0 s2, $0x3;
	[dreg:$0x6] =	wrdreg s6  }
0x10: {  	s1 =	simm.s32 $0x12;
	[dreg:$0x8] =	wrdreg s0;
	s0 =	simm.s32 $0x13  }
.LBB2_1:
0x11: {  	s5 =	rddreg [dreg:$0x1]  }
0x12: {  	s4 =	simm.s32 @!p0 $0x1C01;
	s6 =	rddreg [dreg:$0x8]  }
0x13: {  	[spmem:s6], [sflag:s4] =	dma.local @!p0 [hbm:s5], $0x3E90  }
0x14: {  	s23 =	simm.s32 $0x19;
	s4 =	rddreg [dreg:$0x5]  }
0x15: {  	[tilespmem:s3], [sflag:$0x19] =	stream.linear.gather [hbm4b:s4+s3], $0x200, $0x38;
	[tilespmem:$0x1ABC8] =	vst v63  }
0x16: {  	_ =	swait.ge [sflag:s23], $0x200  }
0x17: {  	[sflag:s23] =	ssyncset.done $0x0  }
0x18: {  	s25 =	rddreg [dreg:$0x6];
	[sflag:s23] =	ssyncadd.s32 $0xFFFFFE00  }
0x19: {  	[tilespmem:s10], [sflag:$0xD] =	stream.linear.gather [hbm4b:s25+s3], $0xA80, $0x38;
	[tilespmem:$0x1ABC8] =	vst v63  }
0x1a: {  	v0 =	vld [tilespmem:$0x0]  }
0x1b: {  	v1 =	vld [tilespmem:$0x10]  }
0x1c: {  	v2 =	vld [tilespmem:$0x20]  }
0x1d: {  	v3 =	vld [tilespmem:$0x30]  }
0x1e: {  	v4 =	vld [tilespmem:$0x40]  }
0x1f: {  	v5 =	vld [tilespmem:$0x50];
	vm0 =	vgt.s32 v0, $0x0  }
0x20: {  	v6 =	vld [tilespmem:$0x60];
	vm9 =	vgt.s32 v1, $0x0;
	v0 =	vnsel vm0, $0x0, v0  }
0x21: {  	v7 =	vld [tilespmem:$0x70];
	vm10 =	vgt.s32 v2, $0x0;
	v1 =	vnsel vm9, $0x0, v1;
	v0 =	vmin.u32 v0, $0x3E8  }
0x22: {  	v36 =	vld [tilespmem:$0x80];
	vm11 =	vgt.s32 v3, $0x0;
	v35 =	vnsel vm10, $0x0, v2;
	v34 =	vmin.u32 v1, $0x3E8;
	[tilespmem:$0x0] =	vst v0  }
0x23: {  	v39 =	vld [tilespmem:$0x90];
	vm12 =	vgt.s32 v4, $0x0;
	v38 =	vnsel vm11, $0x0, v3;
	v37 =	vmin.u32 v35, $0x3E8;
	[tilespmem:$0x10] =	vst v34  }
0x24: {  	v42 =	vld [tilespmem:$0xA0];
	vm13 =	vgt.s32 v5, $0x0;
	v41 =	vnsel vm12, $0x0, v4;
	v40 =	vmin.u32 v38, $0x3E8;
	[tilespmem:$0x20] =	vst v37  }
0x25: {  	v45 =	vld [tilespmem:$0xB0];
	vm14 =	vgt.s32 v6, $0x0;
	v44 =	vnsel vm13, $0x0, v5;
	v43 =	vmin.u32 v41, $0x3E8;
	[tilespmem:$0x30] =	vst v40  }
0x26: {  	v48 =	vld [tilespmem:$0xC0];
	vm15 =	vgt.s32 v7, $0x0;
	v47 =	vnsel vm14, $0x0, v6;
	v46 =	vmin.u32 v44, $0x3E8;
	[tilespmem:$0x40] =	vst v43  }
0x27: {  	v51 =	vld [tilespmem:$0xD0];
	vm4 =	vgt.s32 v36, $0x0;
	v50 =	vnsel vm15, $0x0, v7;
	v49 =	vmin.u32 v47, $0x3E8;
	[tilespmem:$0x50] =	vst v46  }
0x28: {  	v54 =	vld [tilespmem:$0xE0];
	vm5 =	vgt.s32 v39, $0x0;
	v53 =	vnsel vm4, $0x0, v36;
	v52 =	vmin.u32 v50, $0x3E8;
	[tilespmem:$0x60] =	vst v49  }
0x29: {  	v57 =	vld [tilespmem:$0xF0];
	vm6 =	vgt.s32 v42, $0x0;
	v56 =	vnsel vm5, $0x0, v39;
	v55 =	vmin.u32 v53, $0x3E8;
	[tilespmem:$0x70] =	vst v52  }
0x2a: {  	v60 =	vld [tilespmem:$0x100];
	vm7 =	vgt.s32 v45, $0x0;
	v59 =	vnsel vm6, $0x0, v42;
	v58 =	vmin.u32 v56, $0x3E8;
	[tilespmem:$0x80] =	vst v55  }
0x2b: {  	v63 =	vld [tilespmem:$0x110];
	vm8 =	vgt.s32 v48, $0x0;
	v62 =	vnsel vm7, $0x0, v45;
	v61 =	vmin.u32 v59, $0x3E8;
	[tilespmem:$0x90] =	vst v58  }
0x2c: {  	v11 =	vld [tilespmem:$0x120];
	v10 =	vnsel vm8, $0x0, v48;
	vm9 =	vgt.s32 v51, $0x0;
	v9 =	vmin.u32 v62, $0x3E8;
	[tilespmem:$0xA0] =	vst v61  }
0x2d: {  	v14 =	vld [tilespmem:$0x130];
	vm10 =	vgt.s32 v54, $0x0;
	v12 =	vmin.u32 v10, $0x3E8;
	v13 =	vnsel vm9, $0x0, v51;
	[tilespmem:$0xB0] =	vst v9  }
0x2e: {  	v17 =	vld [tilespmem:$0x140];
	vm11 =	vgt.s32 v57, $0x0;
	v16 =	vnsel vm10, $0x0, v54;
	[tilespmem:$0xC0] =	vst v12;
	v15 =	vmin.u32 v13, $0x3E8  }
0x2f: {  	v20 =	vld [tilespmem:$0x150];
	vm12 =	vgt.s32 v60, $0x0;
	v19 =	vnsel vm11, $0x0, v57;
	v18 =	vmin.u32 v16, $0x3E8;
	[tilespmem:$0xD0] =	vst v15  }
0x30: {  	v23 =	vld [tilespmem:$0x160];
	vm13 =	vgt.s32 v63, $0x0;
	v22 =	vnsel vm12, $0x0, v60;
	v21 =	vmin.u32 v19, $0x3E8;
	[tilespmem:$0xE0] =	vst v18  }
0x31: {  	v26 =	vld [tilespmem:$0x170];
	vm14 =	vgt.s32 v11, $0x0;
	v25 =	vnsel vm13, $0x0, v63;
	v24 =	vmin.u32 v22, $0x3E8;
	[tilespmem:$0xF0] =	vst v21  }
0x32: {  	v29 =	vld [tilespmem:$0x180];
	vm15 =	vgt.s32 v14, $0x0;
	v28 =	vnsel vm14, $0x0, v11;
	v27 =	vmin.u32 v25, $0x3E8;
	[tilespmem:$0x100] =	vst v24  }
0x33: {  	v32 =	vld [tilespmem:$0x190];
	vm4 =	vgt.s32 v17, $0x0;
	v31 =	vnsel vm15, $0x0, v14;
	v30 =	vmin.u32 v28, $0x3E8;
	[tilespmem:$0x110] =	vst v27  }
0x34: {  	vm5 =	vgt.s32 v20, $0x0;
	v35 =	vld [tilespmem:$0x1A0];
	v33 =	vmin.u32 v31, $0x3E8;
	v34 =	vnsel vm4, $0x0, v17;
	[tilespmem:$0x120] =	vst v30  }
0x35: {  	vm6 =	vgt.s32 v23, $0x0;
	v38 =	vld [tilespmem:$0x1B0];
	v37 =	vnsel vm5, $0x0, v20;
	[tilespmem:$0x130] =	vst v33;
	v36 =	vmin.u32 v34, $0x3E8  }
0x36: {  	vm7 =	vgt.s32 v26, $0x0;
	v41 =	vld [tilespmem:$0x1C0];
	v40 =	vnsel vm6, $0x0, v23;
	v39 =	vmin.u32 v37, $0x3E8;
	[tilespmem:$0x140] =	vst v36  }
0x37: {  	vm8 =	vgt.s32 v29, $0x0;
	v44 =	vld [tilespmem:$0x1D0];
	v43 =	vnsel vm7, $0x0, v26;
	v42 =	vmin.u32 v40, $0x3E8;
	[tilespmem:$0x150] =	vst v39  }
0x38: {  	vm9 =	vgt.s32 v32, $0x0;
	v47 =	vld [tilespmem:$0x1E0];
	v46 =	vnsel vm8, $0x0, v29;
	v45 =	vmin.u32 v43, $0x3E8;
	[tilespmem:$0x160] =	vst v42  }
0x39: {  	v50 =	vld [tilespmem:$0x1F0];
	v49 =	vnsel vm9, $0x0, v32;
	v48 =	vmin.u32 v46, $0x3E8;
	[tilespmem:$0x170] =	vst v45;
	vm10 =	vgt.s32 v35, $0x0  }
0x3a: {  	v51 =	vmin.u32 v49, $0x3E8;
	[tilespmem:$0x180] =	vst v48;
	vm11 =	vgt.s32 v38, $0x0;
	v52 =	vnsel vm10, $0x0, v35  }
0x3b: {  	[tilespmem:$0x190] =	vst v51;
	vm12 =	vgt.s32 v41, $0x0;
	v54 =	vnsel vm11, $0x0, v38;
	v53 =	vmin.u32 v52, $0x3E8  }
0x3c: {  	vm13 =	vgt.s32 v44, $0x0;
	v56 =	vnsel vm12, $0x0, v41;
	v55 =	vmin.u32 v54, $0x3E8;
	[tilespmem:$0x1A0] =	vst v53  }
0x3d: {  	vm14 =	vgt.s32 v47, $0x0;
	v58 =	vnsel vm13, $0x0, v44;
	v57 =	vmin.u32 v56, $0x3E8;
	[tilespmem:$0x1B0] =	vst v55  }
0x3e: {  	vm15 =	vgt.s32 v50, $0x0;
	v60 =	vnsel vm14, $0x0, v47;
	v59 =	vmin.u32 v58, $0x3E8;
	[tilespmem:$0x1C0] =	vst v57  }
0x3f: {  	v62 =	vnsel vm15, $0x0, v50;
	v61 =	vmin.u32 v60, $0x3E8;
	[tilespmem:$0x1D0] =	vst v59  }
0x40: {  	v63 =	vmin.u32 v62, $0x3E8;
	[tilespmem:$0x1E0] =	vst v61  }
0x41: {  	s4 =	simm.s32 @!p0 $0x1;
	[tilespmem:$0x1F0] =	vst v63  }
0x42: {  	_ =	swait.ge @!p0 [sflag:s4], $0x3E90  }
0x43: {  	[sflag:s4] =	ssyncset.done @!p0 $0x0  }
0x44: {  	[sflag:s4] =	ssyncadd.s32 @!p0 $0xFFFFC170  }
0x45: {  	s29 =	simm.s32 $0xC80;
	[bflag:$0x0] =	sbarrier.arrive $0xFFFF  }
0x46: {  	[tilespmem:s29], [sflag:$0x1] =	stream.indirect.gather [spmem:s2], $0x80, s3, s11, $0xb8;
	[tilespmem:$0x1ABC8] =	vst v63  }
0x47: {  	s7 =	simm.s32 $0x4C80;
	s5 =	simm.s32 $0x2C80  }
0x48: {  	[tilespmem:s5], [sflag:$0x2] =	stream.indirect.gather [spmem:s2], $0x80, s11, s11, $0xb8;
	[tilespmem:$0x1ABC8] =	vst v63  }
0x49: {  	s8 =	simm.s32 $0xC0;
	s9 =	simm.s32 $0x6C80;
	s6 =	simm.s32 $0x80  }
0x4a: {  	[tilespmem:s7], [sflag:$0x3] =	stream.indirect.gather [spmem:s2], $0x80, s6, s11, $0xb8;
	[tilespmem:$0x1ABC8] =	vst v63  }
0x4b: {  	s18 =	simm.s32 $0x100;
	p2 =	por $0x0, $0x0;
	s4 =	simm.s32 $0x8  }
0x4c: {  	[tilespmem:s9], [sflag:$0x4] =	stream.indirect.gather [spmem:s2], $0x80, s8, s11, $0xb8;
	[tilespmem:$0x1ABC8] =	vst v63  }
0x4d: {  	s19 =	simm.s32 $0x8C80;
	s20 =	simm.s32 $0x140;
	s4 =	smul.u32 @!p2 $0xAB, s4  }
0x4e: {  	[tilespmem:s19], [sflag:$0x5] =	stream.indirect.gather [spmem:s2], $0x80, s18, s11, $0xb8;
	[tilespmem:$0x1ABC8] =	vst v63  }
0x4f: {  	s21 =	simm.s32 $0xAC80;
	s22 =	simm.s32 $0x180;
	s4 =	sshrl.u32 @!p2 s4, $0xB  }
0x50: {  	[tilespmem:s21], [sflag:$0x6] =	stream.indirect.gather [spmem:s2], $0x80, s20, s11, $0xb8;
	[tilespmem:$0x1ABC8] =	vst v63  }
0x51: {  	p1 =	por p2, p2;
	s23 =	simm.s32 $0xCC80;
	s4 =	sand.u32 @!p2 $0x1F, s4  }
0x52: {  	[tilespmem:s23], [sflag:$0x7] =	stream.indirect.gather [spmem:s2], $0x80, s22, s11, $0xb8;
	[tilespmem:$0x1ABC8] =	vst v63  }
0x53: {  	s25 =	simm.s32 $0x1C0;
	s29 =	simm.s32 $0xEC80;
	s4 =	smul.u32 @!p2 $0xC, s4  }
0x54: {  	[tilespmem:s29], [sflag:$0x8] =	stream.indirect.gather [spmem:s2], $0x80, s25, s11, $0xb8;
	[tilespmem:$0x1ABC8] =	vst v63  }
0x55: {  	p2 =	por @!p2 $0x1, $0x1;
	s4 =	ssub.s32 @!p1 $0x8, s4;
	_ =	swait.ge [sflag:s26], $0xA80  }
0x56: {  	p2 =	por p2, p1;
	s4 =	sand.u32 @!p1 $0xFF, s4;
	[sflag:s26] =	ssyncset.done $0x0  }
0x57: {  	s5 =	sadd.s32 @!p2 $0xD, s4;
	[sflag:s26] =	ssyncadd.s32 $0xFFFFF580  }
0x58: {  	_ =	swait.ge @!p2 [sflag:s5], $0x2000  }
0x59: {  	[sflag:s5] =	ssyncset.done @!p2 $0x0  }
0x5a: {  	[sflag:s5] =	ssyncadd.s32 @!p2 $0xFFFFE000  }
0x5b: {  	v0 =	vld @!p1 [tilespmem:s10+$0x10]  }
0x5c: {  	s7 =	smul.u32 $0xAB, s3;
	v1 =	vld @!p1 [tilespmem:s10+$0x0]  }
0x5d: {  	v2 =	vld @!p1 [tilespmem:s10+$0x20]  }
0x5e: {  	s28 =	simm.s32 @!p1 $0x40;
	s5 =	sshrl.u32 s7, $0xB;
	v3 =	vld @!p1 [tilespmem:s10+$0x30]  }
0x5f: {  	s6 =	sshll.u32 @!p1 s4, $0xD;
	s18 =	simm.s32 $0x1;
	s5 =	sand.u32 $0x1F, s5  }
0x60: {  	s19 =	sadd.s32 $0x400, s24;
	s21 =	simm.s32 $0x2;
	s5 =	smul.u32 $0xC, s5;
	vm0 =	vgt.s32 @!p1 v0, $0x0  }
0x61: {  	s20 =	simm.s32 $0x240;
	s25 =	simm.s32 $0x9;
	p2 =	por $0x0, $0x0;
	vm1 =	vgt.s32 @!p1 v1, $0x0;
	v0 =	vnsel @!p1 vm0, $0x0, v0  }
0x62: {  	s22 =	sor.u32 @!p1 $0xC80, s6;
	s7 =	smul.u32 @!p2 $0xAB, s25;
	s5 =	ssub.s32 $0x0, s5;
	v1 =	vnsel @!p1 vm1, $0x0, v1;
	vm0 =	vgt.s32 @!p1 v2, $0x0;
	v0 =	vmin.u32 @!p1 v0, $0x3E8  }
0x63: {  	s23 =	sadd.s32 @!p1 $0x1, s4;
	p3 =	por @!p2 $0x1, $0x1;
	s8 =	sand.u32 $0xFF, s5;
	v1 =	vmin.u32 @!p1 v1, $0x3E8;
	[tilespmem:s10+$0x10] =	vst @!p1 v0;
	v0 =	vnsel @!p1 vm0, $0x0, v2;
	vm0 =	vgt.s32 @!p1 v3, $0x0  }
0x64: {  	s5 =	sshrl.u32 @!p2 s7, $0xB;
	s7 =	smov.u32 s24;
	s6 =	sadd.s32 $0x1, s8;
	[tilespmem:s10+$0x0] =	vst @!p1 v1;
	v0 =	vmin.u32 @!p1 v0, $0x3E8;
	v1 =	vnsel @!p1 vm0, $0x0, v3  }
0x65: {  	s29 =	sshll.u32 s8, $0xD;
	s5 =	sand.u32 @!p2 $0x1F, s5;
	s8 =	sadd.s32 $0xD, s8;
	[tilespmem:s10+$0x20] =	vst @!p1 v0;
	v0 =	vmin.u32 @!p1 v1, $0x3E8  }
0x66: {  	s9 =	smul.u32 @!p2 $0xC, s5;
	s4 =	sor.u32 $0xC80, s29;
	s5 =	simm.s32 $0x200;
	[tilespmem:s10+$0x30] =	vst @!p1 v0  }
.LBB2_2:
0x67: {  	[tilespmem:s22], [sflag:s23] =	stream.indirect.gather @!p1 [spmem:s2], $0x80, s5, s28, $0xb8;
	[tilespmem:$0x1ABC8] =	vst v63  }
0x68: {  	s28 =	smov.u32 s21;
	s5 =	smov.u32 s20;
	p1 =	por p2, p2  }
0x69: {  	s21 =	sadd.s32 $0x1, s21;
	s9 =	ssub.s32 @!p1 s25, s9;
	_ =	swait.ge [sflag:s6], $0x2000  }
0x6a: {  	p2 =	por p3, p1;
	s9 =	sand.u32 @!p1 $0xFF, s9;
	[sflag:s6] =	ssyncset.done $0x0  }
0x6b: {  	s25 =	sadd.s32 @!p2 $0xD, s9;
	s22 =	sshll.u32 @!p1 s9, $0xD;
	[sflag:s6] =	ssyncadd.s32 $0xFFFFE000  }
0x6c: {  	[hbm4b:s7+s3] =	stream.linear.scatter [tilespmem:s4], [sflag:s8], $0x2000, $0x38;
	[tilespmem:$0x1ABC8] =	vst v63  }
0x6d: {  	s23 =	sadd.s32 @!p1 $0x1, s9;
	s22 =	sor.u32 @!p1 $0xC80, s22;
	_ =	swait.ge @!p2 [sflag:s25], $0x2000  }
0x6e: {  	p4 =	sne.s32 s21, $0x32;
	s7 =	smov.u32 s19;
	[sflag:s25] =	ssyncset.done @!p2 $0x0  }
0x6f: {  	[sflag:s25] =	ssyncadd.s32 @!p2 $0xFFFFE000  }
0x70: {  	s4 =	smul.u32 $0xAB, s18;
	v0 =	vld @!p1 [tilespmem:s20+$0x10]  }
0x71: {  	v1 =	vld @!p1 [tilespmem:s20+$0x0]  }
0x72: {  	s4 =	sshrl.u32 s4, $0xB;
	v2 =	vld @!p1 [tilespmem:s20+$0x20]  }
0x73: {  	s4 =	sand.u32 $0x1F, s4;
	v3 =	vld @!p1 [tilespmem:s20+$0x30]  }
0x74: {  	s4 =	smul.u32 $0xC, s4  }
0x75: {  	s25 =	sadd.s32 $0x8, s28;
	p2 =	sgt.u32 s28, $0x29;
	vm0 =	vgt.s32 @!p1 v0, $0x0  }
0x76: {  	s8 =	smul.u32 @!p2 $0xAB, s25;
	s4 =	ssub.s32 s18, s4;
	vm1 =	vgt.s32 @!p1 v1, $0x0;
	v0 =	vnsel @!p1 vm0, $0x0, v0  }
.Ltmp0:
0x77: {  	p3 =	slt.u32 @!p2 s28, $0x4;
	s4 =	sand.u32 $0xFF, s4;
	v1 =	vnsel @!p1 vm1, $0x0, v1;
	v0 =	vmin.u32 @!p1 v0, $0x3E8;
	vm0 =	vgt.s32 @!p1 v2, $0x0;
	(pc) =	sbr.rel @p4 .LBB2_2-.Ltmp0, $4  }
0x78: {  	s18 =	smov.u32 s28;
	s6 =	sadd.s32 $0x1, s4;
	s29 =	sshll.u32 s4, $0xD;
	v1 =	vmin.u32 @!p1 v1, $0x3E8;
	[tilespmem:s20+$0x10] =	vst @!p1 v0;
	v0 =	vnsel @!p1 vm0, $0x0, v2;
	vm0 =	vgt.s32 @!p1 v3, $0x0  }
0x79: {  	s8 =	sshrl.u32 @!p2 s8, $0xB;
	s20 =	sadd.s32 $0x40, s20;
	[tilespmem:s5+$0x0] =	vst @!p1 v1;
	v0 =	vmin.u32 @!p1 v0, $0x3E8;
	v1 =	vnsel @!p1 vm0, $0x0, v3  }
0x7a: {  	s19 =	sadd.s32 $0x400, s19;
	s28 =	simm.s32 @!p1 $0x40;
	s8 =	sand.u32 @!p2 $0x1F, s8;
	[tilespmem:s5+$0x20] =	vst @!p1 v0;
	v0 =	vmin.u32 @!p1 v1, $0x3E8  }
0x7b: {  	s9 =	smul.u32 @!p2 $0xC, s8;
	s8 =	sadd.s32 $0xD, s4;
	s4 =	sor.u32 $0xC80, s29;
	[tilespmem:s5+$0x30] =	vst @!p1 v0  }
0x7c: {  	[tilespmem:s22], [sflag:s23] =	stream.indirect.gather @!p1 [spmem:s2], $0x80, s5, s28, $0xb8;
	[tilespmem:$0x1ABC8] =	vst v63  }
0x7d: {  	p1 =	por p2, p2;
	_ =	swait.ge [sflag:s6], $0x2000  }
0x7e: {  	s5 =	ssub.s32 @!p1 s25, s9;
	[sflag:s6] =	ssyncset.done $0x0  }
0x7f: {  	p2 =	por p3, p1;
	s5 =	sand.u32 @!p1 $0xFF, s5;
	[sflag:s6] =	ssyncadd.s32 $0xFFFFE000  }
0x80: {  	[hbm4b:s7+s3] =	stream.linear.scatter [tilespmem:s4], [sflag:s8], $0x2000, $0x38;
	[tilespmem:$0x1ABC8] =	vst v63  }
0x81: {  	s4 =	sadd.s32 @!p2 $0xD, s5  }
0x82: {  	_ =	swait.ge @!p2 [sflag:s4], $0x2000  }
0x83: {  	[sflag:s4] =	ssyncset.done @!p2 $0x0  }
0x84: {  	[sflag:s4] =	ssyncadd.s32 @!p2 $0xFFFFE000  }
0x85: {  	v0 =	vld @!p1 [tilespmem:s20+$0x10]  }
0x86: {  	v1 =	vld @!p1 [tilespmem:s20+$0x0]  }
0x87: {  	v2 =	vld @!p1 [tilespmem:s20+$0x20]  }
0x88: {  	s9 =	smul.u32 $0xAB, s18;
	v3 =	vld @!p1 [tilespmem:s20+$0x30];
	_ =	sdelay $0x1  }
0x89: {  	s4 =	sshrl.u32 s9, $0xB;
	vm0 =	vgt.s32 @!p1 v0, $0x0  }
0x8a: {  	s4 =	sand.u32 $0x1F, s4;
	vm1 =	vgt.s32 @!p1 v1, $0x0;
	v0 =	vnsel @!p1 vm0, $0x0, v0  }
0x8b: {  	s4 =	smul.u32 $0xC, s4;
	v1 =	vnsel @!p1 vm1, $0x0, v1;
	vm0 =	vgt.s32 @!p1 v2, $0x0;
	v0 =	vmin.u32 @!p1 v0, $0x3E8  }
0x8c: {  	v1 =	vmin.u32 @!p1 v1, $0x3E8;
	[tilespmem:s20+$0x10] =	vst @!p1 v0;
	v0 =	vnsel @!p1 vm0, $0x0, v2;
	vm0 =	vgt.s32 @!p1 v3, $0x0  }
0x8d: {  	s6 =	sshll.u32 @!p1 s5, $0xD;
	s4 =	ssub.s32 s18, s4;
	[tilespmem:s20+$0x0] =	vst @!p1 v1;
	v0 =	vmin.u32 @!p1 v0, $0x3E8;
	v1 =	vnsel @!p1 vm0, $0x0, v3  }
0x8e: {  	s6 =	sor.u32 @!p1 $0xC80, s6;
	s4 =	sand.u32 $0xFF, s4;
	[tilespmem:s20+$0x20] =	vst @!p1 v0;
	v0 =	vmin.u32 @!p1 v1, $0x3E8  }
0x8f: {  	s5 =	sadd.s32 @!p1 $0x1, s5;
	s7 =	simm.s32 @!p1 $0x40;
	s21 =	sadd.s32 $0x1, s4;
	[tilespmem:s20+$0x30] =	vst @!p1 v0  }
0x90: {  	[tilespmem:s6], [sflag:s5] =	stream.indirect.gather @!p1 [spmem:s2], $0x80, s20, s7, $0xb8;
	[tilespmem:$0x1ABC8] =	vst v63  }
0x91: {  	_ =	swait.ge [sflag:s21], $0x2000  }
0x92: {  	s22 =	sshll.u32 s4, $0xD;
	[sflag:s21] =	ssyncset.done $0x0  }
0x93: {  	s4 =	sadd.s32 $0xD, s4;
	s23 =	sor.u32 $0xC80, s22;
	[sflag:s21] =	ssyncadd.s32 $0xFFFFE000  }
0x94: {  	[hbm4b:s19+s3] =	stream.linear.scatter [tilespmem:s23], [sflag:s4], $0x2000, $0x38;
	[tilespmem:$0x1ABC8] =	vst v63  }
0x95: {  	_ =	swait.ge [sflag:s26], $0x2000  }
0x96: {  	[sflag:s26] =	ssyncset.done $0x0  }
0x97: {  	s25 =	simm.s32 $0xE;
	[sflag:s26] =	ssyncadd.s32 $0xFFFFE000  }
0x98: {  	_ =	swait.ge [sflag:s25], $0x2000  }
0x99: {  	[sflag:s25] =	ssyncset.done $0x0  }
0x9a: {  	s28 =	simm.s32 $0xF;
	[sflag:s25] =	ssyncadd.s32 $0xFFFFE000  }
0x9b: {  	_ =	swait.ge [sflag:s28], $0x2000  }
0x9c: {  	[sflag:s28] =	ssyncset.done $0x0  }
0x9d: {  	[sflag:s28] =	ssyncadd.s32 $0xFFFFE000  }
0x9e: {  	_ =	swait.ge [sflag:s30], $0x2000  }
0x9f: {  	[sflag:s30] =	ssyncset.done $0x0  }
0xa0: {  	[sflag:s30] =	ssyncadd.s32 $0xFFFFE000  }
0xa1: {  	_ =	swait.ge [sflag:s31], $0x2000  }
0xa2: {  	[sflag:s31] =	ssyncset.done $0x0  }
0xa3: {  	[sflag:s31] =	ssyncadd.s32 $0xFFFFE000  }
0xa4: {  	_ =	swait.ge [sflag:s1], $0x2000  }
0xa5: {  	[sflag:s1] =	ssyncset.done $0x0  }
0xa6: {  	[sflag:s1] =	ssyncadd.s32 $0xFFFFE000  }
0xa7: {  	_ =	swait.ge [sflag:s0], $0x2000  }
0xa8: {  	[sflag:s0] =	ssyncset.done $0x0  }
0xa9: {  	[sflag:s0] =	ssyncadd.s32 $0xFFFFE000  }
0xaa: {  	_ =	swait.ge [sflag:s12], $0x2000  }
0xab: {  	[sflag:s12] =	ssyncset.done $0x0  }
0xac: {  	[sflag:s12] =	ssyncadd.s32 $0xFFFFE000  }
0xad: {  	_ =	swait.ge [sflag:s13], $0x2000  }
0xae: {  	[sflag:s13] =	ssyncset.done $0x0  }
0xaf: {  	[sflag:s13] =	ssyncadd.s32 $0xFFFFE000  }
0xb0: {  	_ =	swait.ge [sflag:s14], $0x2000  }
0xb1: {  	[sflag:s14] =	ssyncset.done $0x0  }
0xb2: {  	[sflag:s14] =	ssyncadd.s32 $0xFFFFE000  }
0xb3: {  	_ =	swait.ge [sflag:s15], $0x2000  }
0xb4: {  	[sflag:s15] =	ssyncset.done $0x0  }
0xb5: {  	[sflag:s15] =	ssyncadd.s32 $0xFFFFE000  }
0xb6: {  	_ =	swait.ge [sflag:s16], $0x2000  }
0xb7: {  	s17 =	sadd.s32 $0x1, s17;
	s29 =	rddreg [dreg:$0x7]  }
0xb8: {  	p1 =	sne.s32 s17, s29  }
.Ltmp1:
0xb9: {  	_ = 	snop;
	(pc) =	sbr.rel @p1 .LBB2_1-.Ltmp1, $3  }
0xba: {  	_ =	sdelay $0x1  }
0xbb: {  	[sflag:s16] =	ssyncset.done $0x0  }
0xbc: {  	[sflag:s16] =	ssyncadd.s32 $0xFFFFE000  }
0xbd: {  	_ =	sfence.sel $0x180000  }
0xbe: {  	[bflag:$0x0] =	sbarrier.arrive $0xFFFF  }
0xbf: {  	_ =	strace $0x90000047  }
0xc0: {  	[bflag:$0x2] =	sbarrier.arrive $0xFFFF  }
0xc1: {  	s0 =	rddreg [dreg:$0x4]  }
0xc2: {  	s0 =	sadd.s32 @!p0 $0x100000, s0  }
0xc3: {  	[sflag:s0] =	ssyncadd.tile.s32 @!p0 $0x1;
	_ =	shalt  }
.Lfunc_end2:
_tile_overlayer_lowered:
.L_overlay_start_2:
0xc4: {  	(tag) =	ssettag $0x2  }
0xc5: {  	s0 =	rddreg [dreg:$0x0];
	s2 =	stileid.u32  }
0xc6: {  	s1 =	rddreg [dreg:$0x1];
	p0 =	sne.s32 s2, $0x0  }
0xc7: {  	s3 =	rddreg [dreg:$0x2];
	[bflag:$0x3] =	sbarrier.arrive $0xFFFF;
	s2 =	simm.s32 @!p0 $0x1C19  }
0xc8: {  	[timem:s3], [sflag:s2] =	dma.local @!p0 [hbm:s0], s1  }
0xc9: {  	s0 =	simm.s32 @!p0 $0x19  }
0xca: {  	_ =	swait.ge @!p0 [sflag:s0], s1  }
0xcb: {  	s1 =	ssub.s32 @!p0 $0x0, s1;
	[sflag:s0] =	ssyncset.done @!p0 $0x0  }
0xcc: {  	[sflag:s0] =	ssyncadd.s32 @!p0 s1  }
0xcd: {  	[bflag:$0x3] =	sbarrier.arrive $0xFFFF  }
0xce: {  	_ =	shalt  }

</sc_bundles>
